<compile_context>
chip_gen: v7x
topology: tpu7x:2x2x1
jax: 0.10.2.dev20260603
libtpu: 0.0.44.dev20260713+nightly
codegen_flags: <defaults>
</compile_context>

<pallas_src>
import functools

import jax
import jax.numpy as jnp
from jax import lax
from jax.experimental import pallas as pl
from jax.experimental.pallas import tpu as pltpu
from jax.experimental.pallas import tpu_sc as plsc

FEATURE_DIM = 128
MEMORY_SIZE = 100000
N_CLASSES = 1000
BATCH = 16384

BLK = 1024
C_PAD = 1024
TC_FEAT_BLOCKS = BATCH // BLK
TC_MEM_BLOCKS = 10
TC_MEM_ROWS = TC_MEM_BLOCKS * BLK

NC = 2
NS = 16
NW = NC * NS
CHUNK = 128
SUPER = 384
KPS = SUPER // CHUNK

TAIL_START = BATCH + TC_MEM_ROWS
TAIL_ROWS = MEMORY_SIZE - TAIL_START
N_MEM_SUPERS = TAIL_ROWS // SUPER
MEM_EXTRA = N_MEM_SUPERS % NW
MAX_SUPERS_PER_W = N_MEM_SUPERS // NW + (1 if MEM_EXTRA else 0)
REM_BASE = TAIL_START + N_MEM_SUPERS * SUPER
REM = TAIL_ROWS - N_MEM_SUPERS * SUPER
assert REM in (32, 160, 288) and REM_BASE % 8 == 0


def _sc_segsum(mem_features, mem_labels):
    mesh = plsc.VectorSubcoreMesh(core_axis_name="c", subcore_axis_name="s")

    @functools.partial(
        pl.kernel,
        mesh=mesh,
        out_type=jax.ShapeDtypeStruct((NC, N_CLASSES, FEATURE_DIM), jnp.float32),
        scratch_types=[
            pltpu.VMEM((2, SUPER, FEATURE_DIM), jnp.float32),
            pltpu.VMEM((MAX_SUPERS_PER_W * KPS, CHUNK), jnp.int32),
            pltpu.VMEM((2, CHUNK), jnp.int32),
            pltpu.VMEM((32,), jnp.int32),
            pltpu.VMEM((64, FEATURE_DIM), jnp.float32),
            pltpu.VMEM_SHARED((N_CLASSES, FEATURE_DIM), jnp.float32),
            pltpu.SemaphoreType.DMA,
            pltpu.SemaphoreType.DMA,
            pltpu.SemaphoreType.DMA,
            pltpu.SemaphoreType.DMA,
            pltpu.SemaphoreType.DMA,
        ],
    )
    def k(mem_hbm, mlab_hbm, out_hbm,
          rows_v, lbuf, idx_t, idx_t32, zbuf, shared,
          semf0, semf1, sems0, sems1, seml):
        c = lax.axis_index("c")
        s = lax.axis_index("s")
        wid = s * NC + c
        sems = (semf0, semf1)
        sems_s = (sems0, sems1)

        n_t = N_MEM_SUPERS // NW + jnp.where(wid < MEM_EXTRA, 1, 0)

        def sbase(t):
            return TAIL_START + (wid + t * NW) * SUPER

        def fetch(t, b):
            pltpu.async_copy(mem_hbm.at[pl.ds(sbase(t), SUPER)],
                             rows_v.at[b], sems[b])

        def wait_fetch(b):
            pltpu.make_async_copy(mem_hbm.at[pl.ds(0, SUPER)],
                                  rows_v.at[b], sems[b]).wait()

        def scatter(t, b):
            for kk in range(KPS):
                pltpu.async_copy(rows_v.at[b, pl.ds(kk * CHUNK, CHUNK)],
                                 shared.at[lbuf.at[t * KPS + kk]], sems_s[b],
                                 add=True)

        def wait_scatter(b):
            for kk in range(KPS):
                pltpu.make_async_copy(rows_v.at[b, pl.ds(kk * CHUNK, CHUNK)],
                                      shared.at[lbuf.at[0]],
                                      sems_s[b]).wait()

        fetch(jnp.int32(0), 0)

        def lfetch(t, carry):
            for kk in range(KPS):
                pltpu.async_copy(
                    mlab_hbm.at[pl.ds(sbase(t) + kk * CHUNK, CHUNK)],
                    lbuf.at[t * KPS + kk], seml)
            return carry

        lax.fori_loop(0, n_t, lfetch, 0)

        zero16 = jnp.zeros((16,), jnp.float32)

        def zrow(r, carry):
            for cc in range(FEATURE_DIM // 16):
                zbuf[r, pl.ds(cc * 16, 16)] = zero16
            return carry

        lax.fori_loop(0, 64, zrow, 0)

        @pl.when(s < NS - 1)
        def _():
            pltpu.sync_copy(zbuf, shared.at[pl.ds(s * 64, 64)])

        @pl.when(s == NS - 1)
        def _():
            pltpu.sync_copy(zbuf.at[pl.ds(0, 40)], shared.at[pl.ds(960, 40)])

        def lwait(t, carry):
            for kk in range(KPS):
                pltpu.make_async_copy(mlab_hbm.at[pl.ds(0, CHUNK)],
                                      lbuf.at[0], seml).wait()
            return carry

        lax.fori_loop(0, n_t, lwait, 0)

        plsc.subcore_barrier()

        def step(t, carry):
            def half(b):
                wait_fetch(b)

                @pl.when(t + 1 < n_t)
                def _():
                    @pl.when(t >= 1)
                    def _():
                        wait_scatter(1 - b)

                    fetch(t + 1, 1 - b)

                scatter(t, b)

            @pl.when(t % 2 == 0)
            def _():
                half(0)

            @pl.when(t % 2 == 1)
            def _():
                half(1)

            return carry

        lax.fori_loop(0, n_t, step, 0)
        wait_scatter(0)
        wait_scatter(1)

        _off = 0
        _ci = 0
        while _off < REM:
            _sz = min(CHUNK, REM - _off)

            @pl.when(wid == 6 + _ci)
            def _(off=_off, sz=_sz, ci=_ci):
                pltpu.sync_copy(mem_hbm.at[pl.ds(REM_BASE + off, sz)],
                                rows_v.at[0, pl.ds(0, sz)])
                if sz == CHUNK:
                    pltpu.sync_copy(mlab_hbm.at[pl.ds(REM_BASE + off, sz)],
                                    idx_t.at[ci])
                    pltpu.sync_copy(rows_v.at[0, pl.ds(0, sz)],
                                    shared.at[idx_t.at[ci]], add=True)
                else:
                    pltpu.sync_copy(mlab_hbm.at[pl.ds(REM_BASE + off, sz)],
                                    idx_t32)
                    pltpu.sync_copy(rows_v.at[0, pl.ds(0, sz)],
                                    shared.at[idx_t32], add=True)

            _off += _sz
            _ci += 1

        plsc.subcore_barrier()

        @pl.when(s == 0)
        def _():
            pltpu.sync_copy(shared, out_hbm.at[c])

    return k(mem_features, mem_labels)


def _tc_body(f_ref, l_ref, m_ref, ml_ref, out_ref):
    i = pl.program_id(0)

    def accum(rows_ref, lab_ref):
        oh = (lab_ref[...].reshape(BLK, 1)
              == lax.broadcasted_iota(jnp.int32, (BLK, C_PAD), 1)
              ).astype(jnp.bfloat16)
        part = lax.dot_general(rows_ref[...].astype(jnp.bfloat16), oh,
                               (((0,), (0,)), ((), ())),
                               preferred_element_type=jnp.float32)

        @pl.when(i == 0)
        def _():
            out_ref[...] = part

        @pl.when(i > 0)
        def _():
            out_ref[...] += part

    @pl.when(i < TC_FEAT_BLOCKS)
    def _():
        accum(f_ref, l_ref)

    @pl.when(i >= TC_FEAT_BLOCKS)
    def _():
        accum(m_ref, ml_ref)


def _tc_segsum(features, labels, mem_features, mem_labels):
    nf = TC_FEAT_BLOCKS
    return pl.pallas_call(
        _tc_body,
        grid=(TC_FEAT_BLOCKS + TC_MEM_BLOCKS,),
        in_specs=[
            pl.BlockSpec((BLK, FEATURE_DIM),
                         lambda i: (jnp.minimum(i, nf - 1), 0)),
            pl.BlockSpec((BLK,),
                         lambda i: (jnp.minimum(i, nf - 1),)),
            pl.BlockSpec((BLK, FEATURE_DIM),
                         lambda i: (jnp.maximum(i, nf), 0)),
            pl.BlockSpec((BLK,),
                         lambda i: (jnp.maximum(i, nf),)),
        ],
        out_specs=pl.BlockSpec((FEATURE_DIM, C_PAD), lambda i: (0, 0)),
        out_shape=jax.ShapeDtypeStruct((FEATURE_DIM, C_PAD), jnp.float32),
    )(features, labels, mem_features, mem_labels)


def _norm_body(p_ref, t_ref, o_ref):
    tc = t_ref[...].T[:N_CLASSES, :]
    w = p_ref[0] + p_ref[1] + tc
    nrm = jnp.sqrt(jnp.sum(w * w, axis=1, keepdims=True))
    o_ref[...] = w / jnp.maximum(nrm, 1e-12)


def _combine(sc_partials, tc_partial):
    return pl.pallas_call(
        _norm_body,
        out_shape=jax.ShapeDtypeStruct((N_CLASSES, FEATURE_DIM), jnp.float32),
    )(sc_partials, tc_partial)


def kernel(features, labels, mem_features, mem_labels):
    sc_partials = _sc_segsum(mem_features, mem_labels)
    tc_partial = _tc_segsum(features, labels, mem_features, mem_labels)
    return _combine(sc_partials, tc_partial)

# --- scband reference (transcript-rebuilt; emitter-appended) ---
"""Pipeline reference for scband-memory-55336358643426 (READ-ONLY COPY).

The authoritative reference and input builder live on the scoring server;
editing this copy changes nothing except your own understanding.
"""

import jax, jax.numpy as jnp
import numpy as np

FEATURE_DIM = 128
MEMORY_SIZE = 100000
N_CLASSES = 1000
BATCH = 16384


def setup_inputs(seed: int = 0) -> dict:
    key = jax.random.key(seed)
    k1, k2, k3, k4 = jax.random.split(key, 4)
    features = jax.random.normal(k1, (BATCH, FEATURE_DIM), dtype=jnp.float32)
    labels = jax.random.randint(k2, (BATCH,), 0, N_CLASSES, dtype=jnp.int32)
    mem_features = jax.random.normal(k3, (MEMORY_SIZE, FEATURE_DIM), dtype=jnp.float32)
    mem_labels = jax.random.randint(k4, (MEMORY_SIZE,), 0, N_CLASSES, dtype=jnp.int32)
    return {"features": features, "labels": labels, "mem_features": mem_features, "mem_labels": mem_labels}


def reference(features, labels, mem_features, mem_labels):
    # Memory.update with ptr=0 (single-process: concat_all_gather is identity),
    # followed by Memory.class_weights().
    # 1) scatter-overwrite the batch into the memory bank at ptr=0
    new_feats = jax.lax.dynamic_update_slice(mem_features, features, (0, 0))
    new_labels = jax.lax.dynamic_update_slice(mem_labels, labels, (0,))
    # 2) class_weights: index_add_ (scatter-add) of memory features by label
    weights = jnp.zeros((N_CLASSES, FEATURE_DIM), dtype=new_feats.dtype).at[new_labels].add(new_feats)
    # 3) L2Norm(dim=1): F.normalize(x, dim=1, p=2) == x / max(||x||_2, eps)
    norm = jnp.linalg.norm(weights, ord=2, axis=1, keepdims=True)
    out = weights / jnp.maximum(norm, 1e-12)
    return out

if __name__ == "__main__":
    import jax
    _d = setup_inputs()
    print(jax.jit(kernel)(*tuple(_d.values())))

</pallas_src>

<mosaic_0001>
#map = affine_map<(d0, d1) -> (0, 0)>
#map1 = affine_map<(d0, d1) -> (0)>
#map2 = affine_map<(d0, d1) -> (0, 0, 0)>
module attributes {stable_mosaic.version = 14 : i64} {
  func.func @k(%arg0: i32, %arg1: i32, %arg2: memref<100000x128xf32, #tpu.memory_space<hbm>>, %arg3: memref<100000xi32, #tpu.memory_space<hbm>>, %arg4: memref<2x1000x128xf32, #tpu.memory_space<hbm>>, %arg5: memref<2x384x128xf32, #tpu.memory_space<vmem>>, %arg6: memref<18x128xi32, #tpu.memory_space<vmem>>, %arg7: memref<2x128xi32, #tpu.memory_space<vmem>>, %arg8: memref<32xi32, #tpu.memory_space<vmem>>, %arg9: memref<64x128xf32, #tpu.memory_space<vmem>>, %arg10: memref<1000x128xf32, #tpu.memory_space<vmem_shared>>, %arg11: memref<!tpu.dma_semaphore, #tpu.memory_space<semaphore_mem>>, %arg12: memref<!tpu.dma_semaphore, #tpu.memory_space<semaphore_mem>>, %arg13: memref<!tpu.dma_semaphore, #tpu.memory_space<semaphore_mem>>, %arg14: memref<!tpu.dma_semaphore, #tpu.memory_space<semaphore_mem>>, %arg15: memref<!tpu.dma_semaphore, #tpu.memory_space<semaphore_mem>>) attributes {dimension_semantics = [#tpu.dimension_semantics<core_parallel>, #tpu.dimension_semantics<subcore_parallel>], iteration_bounds = array<i64: 2, 16>, scalar_prefetch = 0 : i64, scratch_operands = 11 : i64, tpu.core_type = #tpu.core_type<sc_vector_subcore>, window_params = [{transform_indices = #map}, {transform_indices = #map1}, {transform_indices = #map2}]} {
    %mul3A = arith.constant 2 : i32
    %mul3A_0 = arith.muli %arg1, %mul3A : i32
    %add3A = arith.addi %mul3A_0, %arg0 : i32
    %lt3A = arith.constant 31 : i32
    %lt3A_1 = arith.cmpi slt, %add3A, %lt3A : i32
    %jit3A = arith.constant 1 : i32
    %jit3A_2 = arith.constant 0 : i32
    %select_n3A = arith.select %lt3A_1, %jit3A, %jit3A_2 : i32
    %add3A_3 = arith.constant 5 : i32
    %add3A_4 = arith.addi %add3A_3, %select_n3A : i32
    %mul3A_5 = arith.constant 0 : i32
    %mul3A_6 = arith.constant 32 : i32
    %mul3A_7 = arith.muli %mul3A_5, %mul3A_6 : i32
    %add3A_8 = arith.addi %add3A, %mul3A_7 : i32
    %mul3A_9 = arith.constant 384 : i32
    %mul3A_10 = arith.muli %add3A_8, %mul3A_9 : i32
    %add3A_11 = arith.constant 26624 : i32
    %add3A_12 = arith.addi %add3A_11, %mul3A_10 : i32
    %dma_start3A = arith.constant 0 : i32
    %dma_start3A_13 = arith.constant 0 : i32
    %dma_start3A_14 = arith.constant 0 : i32
    %dma_start3A_15 = tpu.memref_slice %arg5[%dma_start3A, %dma_start3A_13, %dma_start3A_14] : memref<2x384x128xf32, #tpu.memory_space<vmem>> -> memref<1x384x128xf32, #tpu.memory_space<vmem>>
    %dma_start3A_16 = tpu.memref_squeeze %dma_start3A_15 : memref<1x384x128xf32, #tpu.memory_space<vmem>> -> memref<384x128xf32, #tpu.memory_space<vmem>>
    %dma_start3A_17 = arith.constant 0 : i32
    %dma_start3A_18 = tpu.memref_slice %arg2[%add3A_12, %dma_start3A_17] : memref<100000x128xf32, #tpu.memory_space<hbm>> -> memref<384x128xf32, #tpu.memory_space<hbm>>
    %dma_start3A_19 = arith.constant 0 : i32
    %dma_start3A_20 = arith.constant 0 : i32
    %dma_start3A_21 = tpu.memref_slice %arg5[%dma_start3A, %dma_start3A_19, %dma_start3A_20] : memref<2x384x128xf32, #tpu.memory_space<vmem>> -> memref<1x384x128xf32, #tpu.memory_space<vmem>>
    %dma_start3A_22 = tpu.memref_squeeze %dma_start3A_21 : memref<1x384x128xf32, #tpu.memory_space<vmem>> -> memref<384x128xf32, #tpu.memory_space<vmem>>
    %dma_start3A_23 = arith.constant 0 : i32
    %dma_start3A_24 = tpu.memref_slice %arg2[%add3A_12, %dma_start3A_23] : memref<100000x128xf32, #tpu.memory_space<hbm>> -> memref<384x128xf32, #tpu.memory_space<hbm>>
    tpu.enqueue_dma source(%dma_start3A_24 : memref<384x128xf32, #tpu.memory_space<hbm>>) target(%dma_start3A_22 : memref<384x128xf32, #tpu.memory_space<vmem>>) target_semaphore(%arg11 : memref<!tpu.dma_semaphore, #tpu.memory_space<semaphore_mem>>)
    %while3A = arith.constant 0 : i32
    %while3A_25 = arith.constant 0 : i32
    %while3A_26 = arith.subi %add3A_4, %while3A_25 : i32
    %while3A_27 = arith.addi %while3A_25, %while3A_26 : i32
    %while3A_28 = arith.constant 1 : i32
    %while3A_29 = arith.divsi %while3A_26, %while3A_28 : i32
    %while3A_30 = arith.muli %while3A_29, %while3A_28 : i32
    %while3A_31 = arith.addi %while3A_25, %while3A_30 : i32
    %while3A_32 = arith.constant 1 : i32
    scf.for %while3A_149 = %while3A_25 to %while3A_31 step %while3A_32  : i32 {
      %mul3A_150 = arith.constant 32 : i32
      %mul3A_151 = arith.muli %while3A_149, %mul3A_150 : i32
      %add3A_152 = arith.addi %add3A, %mul3A_151 : i32
      %mul3A_153 = arith.constant 384 : i32
      %mul3A_154 = arith.muli %add3A_152, %mul3A_153 : i32
      %add3A_155 = arith.constant 26624 : i32
      %add3A_156 = arith.addi %add3A_155, %mul3A_154 : i32
      %add3A_157 = arith.constant 0 : i32
      %add3A_158 = arith.addi %add3A_156, %add3A_157 : i32
      %mul3A_159 = arith.constant 3 : i32
      %mul3A_160 = arith.muli %while3A_149, %mul3A_159 : i32
      %add3A_161 = arith.constant 0 : i32
      %add3A_162 = arith.addi %mul3A_160, %add3A_161 : i32
      %dma_start3A_163 = arith.constant 0 : i32
      %dma_start3A_164 = tpu.memref_slice %arg6[%add3A_162, %dma_start3A_163] : memref<18x128xi32, #tpu.memory_space<vmem>> -> memref<1x128xi32, #tpu.memory_space<vmem>>
      %dma_start3A_165 = tpu.memref_squeeze %dma_start3A_164 : memref<1x128xi32, #tpu.memory_space<vmem>> -> memref<128xi32, #tpu.memory_space<vmem>>
      %dma_start3A_166 = tpu.memref_slice %arg3[%add3A_158] : memref<100000xi32, #tpu.memory_space<hbm>> -> memref<128xi32, #tpu.memory_space<hbm>>
      %dma_start3A_167 = arith.constant 0 : i32
      %dma_start3A_168 = tpu.memref_slice %arg6[%add3A_162, %dma_start3A_167] : memref<18x128xi32, #tpu.memory_space<vmem>> -> memref<1x128xi32, #tpu.memory_space<vmem>>
      %dma_start3A_169 = tpu.memref_squeeze %dma_start3A_168 : memref<1x128xi32, #tpu.memory_space<vmem>> -> memref<128xi32, #tpu.memory_space<vmem>>
      %dma_start3A_170 = tpu.memref_slice %arg3[%add3A_158] : memref<100000xi32, #tpu.memory_space<hbm>> -> memref<128xi32, #tpu.memory_space<hbm>>
      tpu.enqueue_dma source(%dma_start3A_170 : memref<128xi32, #tpu.memory_space<hbm>>) target(%dma_start3A_169 : memref<128xi32, #tpu.memory_space<vmem>>) target_semaphore(%arg15 : memref<!tpu.dma_semaphore, #tpu.memory_space<semaphore_mem>>)
      %mul3A_171 = arith.constant 32 : i32
      %mul3A_172 = arith.muli %while3A_149, %mul3A_171 : i32
      %add3A_173 = arith.addi %add3A, %mul3A_172 : i32
      %mul3A_174 = arith.constant 384 : i32
      %mul3A_175 = arith.muli %add3A_173, %mul3A_174 : i32
      %add3A_176 = arith.constant 26624 : i32
      %add3A_177 = arith.addi %add3A_176, %mul3A_175 : i32
      %add3A_178 = arith.constant 128 : i32
      %add3A_179 = arith.addi %add3A_177, %add3A_178 : i32
      %mul3A_180 = arith.constant 3 : i32
      %mul3A_181 = arith.muli %while3A_149, %mul3A_180 : i32
      %add3A_182 = arith.constant 1 : i32
      %add3A_183 = arith.addi %mul3A_181, %add3A_182 : i32
      %dma_start3A_184 = arith.constant 0 : i32
      %dma_start3A_185 = tpu.memref_slice %arg6[%add3A_183, %dma_start3A_184] : memref<18x128xi32, #tpu.memory_space<vmem>> -> memref<1x128xi32, #tpu.memory_space<vmem>>
      %dma_start3A_186 = tpu.memref_squeeze %dma_start3A_185 : memref<1x128xi32, #tpu.memory_space<vmem>> -> memref<128xi32, #tpu.memory_space<vmem>>
      %dma_start3A_187 = tpu.memref_slice %arg3[%add3A_179] : memref<100000xi32, #tpu.memory_space<hbm>> -> memref<128xi32, #tpu.memory_space<hbm>>
      %dma_start3A_188 = arith.constant 0 : i32
      %dma_start3A_189 = tpu.memref_slice %arg6[%add3A_183, %dma_start3A_188] : memref<18x128xi32, #tpu.memory_space<vmem>> -> memref<1x128xi32, #tpu.memory_space<vmem>>
      %dma_start3A_190 = tpu.memref_squeeze %dma_start3A_189 : memref<1x128xi32, #tpu.memory_space<vmem>> -> memref<128xi32, #tpu.memory_space<vmem>>
      %dma_start3A_191 = tpu.memref_slice %arg3[%add3A_179] : memref<100000xi32, #tpu.memory_space<hbm>> -> memref<128xi32, #tpu.memory_space<hbm>>
      tpu.enqueue_dma source(%dma_start3A_191 : memref<128xi32, #tpu.memory_space<hbm>>) target(%dma_start3A_190 : memref<128xi32, #tpu.memory_space<vmem>>) target_semaphore(%arg15 : memref<!tpu.dma_semaphore, #tpu.memory_space<semaphore_mem>>)
      %mul3A_192 = arith.constant 32 : i32
      %mul3A_193 = arith.muli %while3A_149, %mul3A_192 : i32
      %add3A_194 = arith.addi %add3A, %mul3A_193 : i32
      %mul3A_195 = arith.constant 384 : i32
      %mul3A_196 = arith.muli %add3A_194, %mul3A_195 : i32
      %add3A_197 = arith.constant 26624 : i32
      %add3A_198 = arith.addi %add3A_197, %mul3A_196 : i32
      %add3A_199 = arith.constant 256 : i32
      %add3A_200 = arith.addi %add3A_198, %add3A_199 : i32
      %mul3A_201 = arith.constant 3 : i32
      %mul3A_202 = arith.muli %while3A_149, %mul3A_201 : i32
      %add3A_203 = arith.constant 2 : i32
      %add3A_204 = arith.addi %mul3A_202, %add3A_203 : i32
      %dma_start3A_205 = arith.constant 0 : i32
      %dma_start3A_206 = tpu.memref_slice %arg6[%add3A_204, %dma_start3A_205] : memref<18x128xi32, #tpu.memory_space<vmem>> -> memref<1x128xi32, #tpu.memory_space<vmem>>
      %dma_start3A_207 = tpu.memref_squeeze %dma_start3A_206 : memref<1x128xi32, #tpu.memory_space<vmem>> -> memref<128xi32, #tpu.memory_space<vmem>>
      %dma_start3A_208 = tpu.memref_slice %arg3[%add3A_200] : memref<100000xi32, #tpu.memory_space<hbm>> -> memref<128xi32, #tpu.memory_space<hbm>>
      %dma_start3A_209 = arith.constant 0 : i32
      %dma_start3A_210 = tpu.memref_slice %arg6[%add3A_204, %dma_start3A_209] : memref<18x128xi32, #tpu.memory_space<vmem>> -> memref<1x128xi32, #tpu.memory_space<vmem>>
      %dma_start3A_211 = tpu.memref_squeeze %dma_start3A_210 : memref<1x128xi32, #tpu.memory_space<vmem>> -> memref<128xi32, #tpu.memory_space<vmem>>
      %dma_start3A_212 = tpu.memref_slice %arg3[%add3A_200] : memref<100000xi32, #tpu.memory_space<hbm>> -> memref<128xi32, #tpu.memory_space<hbm>>
      tpu.enqueue_dma source(%dma_start3A_212 : memref<128xi32, #tpu.memory_space<hbm>>) target(%dma_start3A_211 : memref<128xi32, #tpu.memory_space<vmem>>) target_semaphore(%arg15 : memref<!tpu.dma_semaphore, #tpu.memory_space<semaphore_mem>>)
    }
    %while3A_33 = arith.constant 1 : i32
    scf.for %while3A_149 = %while3A_31 to %while3A_27 step %while3A_33  : i32 {
      %mul3A_150 = arith.constant 32 : i32
      %mul3A_151 = arith.muli %while3A_149, %mul3A_150 : i32
      %add3A_152 = arith.addi %add3A, %mul3A_151 : i32
      %mul3A_153 = arith.constant 384 : i32
      %mul3A_154 = arith.muli %add3A_152, %mul3A_153 : i32
      %add3A_155 = arith.constant 26624 : i32
      %add3A_156 = arith.addi %add3A_155, %mul3A_154 : i32
      %add3A_157 = arith.constant 0 : i32
      %add3A_158 = arith.addi %add3A_156, %add3A_157 : i32
      %mul3A_159 = arith.constant 3 : i32
      %mul3A_160 = arith.muli %while3A_149, %mul3A_159 : i32
      %add3A_161 = arith.constant 0 : i32
      %add3A_162 = arith.addi %mul3A_160, %add3A_161 : i32
      %dma_start3A_163 = arith.constant 0 : i32
      %dma_start3A_164 = tpu.memref_slice %arg6[%add3A_162, %dma_start3A_163] : memref<18x128xi32, #tpu.memory_space<vmem>> -> memref<1x128xi32, #tpu.memory_space<vmem>>
      %dma_start3A_165 = tpu.memref_squeeze %dma_start3A_164 : memref<1x128xi32, #tpu.memory_space<vmem>> -> memref<128xi32, #tpu.memory_space<vmem>>
      %dma_start3A_166 = tpu.memref_slice %arg3[%add3A_158] : memref<100000xi32, #tpu.memory_space<hbm>> -> memref<128xi32, #tpu.memory_space<hbm>>
      %dma_start3A_167 = arith.constant 0 : i32
      %dma_start3A_168 = tpu.memref_slice %arg6[%add3A_162, %dma_start3A_167] : memref<18x128xi32, #tpu.memory_space<vmem>> -> memref<1x128xi32, #tpu.memory_space<vmem>>
      %dma_start3A_169 = tpu.memref_squeeze %dma_start3A_168 : memref<1x128xi32, #tpu.memory_space<vmem>> -> memref<128xi32, #tpu.memory_space<vmem>>
      %dma_start3A_170 = tpu.memref_slice %arg3[%add3A_158] : memref<100000xi32, #tpu.memory_space<hbm>> -> memref<128xi32, #tpu.memory_space<hbm>>
      tpu.enqueue_dma source(%dma_start3A_170 : memref<128xi32, #tpu.memory_space<hbm>>) target(%dma_start3A_169 : memref<128xi32, #tpu.memory_space<vmem>>) target_semaphore(%arg15 : memref<!tpu.dma_semaphore, #tpu.memory_space<semaphore_mem>>)
      %mul3A_171 = arith.constant 32 : i32
      %mul3A_172 = arith.muli %while3A_149, %mul3A_171 : i32
      %add3A_173 = arith.addi %add3A, %mul3A_172 : i32
      %mul3A_174 = arith.constant 384 : i32
      %mul3A_175 = arith.muli %add3A_173, %mul3A_174 : i32
      %add3A_176 = arith.constant 26624 : i32
      %add3A_177 = arith.addi %add3A_176, %mul3A_175 : i32
      %add3A_178 = arith.constant 128 : i32
      %add3A_179 = arith.addi %add3A_177, %add3A_178 : i32
      %mul3A_180 = arith.constant 3 : i32
      %mul3A_181 = arith.muli %while3A_149, %mul3A_180 : i32
      %add3A_182 = arith.constant 1 : i32
      %add3A_183 = arith.addi %mul3A_181, %add3A_182 : i32
      %dma_start3A_184 = arith.constant 0 : i32
      %dma_start3A_185 = tpu.memref_slice %arg6[%add3A_183, %dma_start3A_184] : memref<18x128xi32, #tpu.memory_space<vmem>> -> memref<1x128xi32, #tpu.memory_space<vmem>>
      %dma_start3A_186 = tpu.memref_squeeze %dma_start3A_185 : memref<1x128xi32, #tpu.memory_space<vmem>> -> memref<128xi32, #tpu.memory_space<vmem>>
      %dma_start3A_187 = tpu.memref_slice %arg3[%add3A_179] : memref<100000xi32, #tpu.memory_space<hbm>> -> memref<128xi32, #tpu.memory_space<hbm>>
      %dma_start3A_188 = arith.constant 0 : i32
      %dma_start3A_189 = tpu.memref_slice %arg6[%add3A_183, %dma_start3A_188] : memref<18x128xi32, #tpu.memory_space<vmem>> -> memref<1x128xi32, #tpu.memory_space<vmem>>
      %dma_start3A_190 = tpu.memref_squeeze %dma_start3A_189 : memref<1x128xi32, #tpu.memory_space<vmem>> -> memref<128xi32, #tpu.memory_space<vmem>>
      %dma_start3A_191 = tpu.memref_slice %arg3[%add3A_179] : memref<100000xi32, #tpu.memory_space<hbm>> -> memref<128xi32, #tpu.memory_space<hbm>>
      tpu.enqueue_dma source(%dma_start3A_191 : memref<128xi32, #tpu.memory_space<hbm>>) target(%dma_start3A_190 : memref<128xi32, #tpu.memory_space<vmem>>) target_semaphore(%arg15 : memref<!tpu.dma_semaphore, #tpu.memory_space<semaphore_mem>>)
      %mul3A_192 = arith.constant 32 : i32
      %mul3A_193 = arith.muli %while3A_149, %mul3A_192 : i32
      %add3A_194 = arith.addi %add3A, %mul3A_193 : i32
      %mul3A_195 = arith.constant 384 : i32
      %mul3A_196 = arith.muli %add3A_194, %mul3A_195 : i32
      %add3A_197 = arith.constant 26624 : i32
      %add3A_198 = arith.addi %add3A_197, %mul3A_196 : i32
      %add3A_199 = arith.constant 256 : i32
      %add3A_200 = arith.addi %add3A_198, %add3A_199 : i32
      %mul3A_201 = arith.constant 3 : i32
      %mul3A_202 = arith.muli %while3A_149, %mul3A_201 : i32
      %add3A_203 = arith.constant 2 : i32
      %add3A_204 = arith.addi %mul3A_202, %add3A_203 : i32
      %dma_start3A_205 = arith.constant 0 : i32
      %dma_start3A_206 = tpu.memref_slice %arg6[%add3A_204, %dma_start3A_205] : memref<18x128xi32, #tpu.memory_space<vmem>> -> memref<1x128xi32, #tpu.memory_space<vmem>>
      %dma_start3A_207 = tpu.memref_squeeze %dma_start3A_206 : memref<1x128xi32, #tpu.memory_space<vmem>> -> memref<128xi32, #tpu.memory_space<vmem>>
      %dma_start3A_208 = tpu.memref_slice %arg3[%add3A_200] : memref<100000xi32, #tpu.memory_space<hbm>> -> memref<128xi32, #tpu.memory_space<hbm>>
      %dma_start3A_209 = arith.constant 0 : i32
      %dma_start3A_210 = tpu.memref_slice %arg6[%add3A_204, %dma_start3A_209] : memref<18x128xi32, #tpu.memory_space<vmem>> -> memref<1x128xi32, #tpu.memory_space<vmem>>
      %dma_start3A_211 = tpu.memref_squeeze %dma_start3A_210 : memref<1x128xi32, #tpu.memory_space<vmem>> -> memref<128xi32, #tpu.memory_space<vmem>>
      %dma_start3A_212 = tpu.memref_slice %arg3[%add3A_200] : memref<100000xi32, #tpu.memory_space<hbm>> -> memref<128xi32, #tpu.memory_space<hbm>>
      tpu.enqueue_dma source(%dma_start3A_212 : memref<128xi32, #tpu.memory_space<hbm>>) target(%dma_start3A_211 : memref<128xi32, #tpu.memory_space<vmem>>) target_semaphore(%arg15 : memref<!tpu.dma_semaphore, #tpu.memory_space<semaphore_mem>>)
    }
    %broadcast_in_dim3A = arith.constant 0.000000e+00 : f32
    %broadcast_in_dim3A_34 = vector.broadcast %broadcast_in_dim3A : f32 to vector<16xf32>
    %scan3A = arith.constant 0 : i32
    %scan3A_35 = arith.constant 0 : i32
    %scan3A_36 = arith.constant 64 : i32
    %scan3A_37 = arith.addi %scan3A_35, %scan3A_36 : i32
    %scan3A_38 = arith.constant 1 : i32
    scf.for %scan3A_149 = %scan3A_35 to %scan3A_37 step %scan3A_38  : i32 {
      %swap3A = arith.index_cast %scan3A_149 : i32 to index
      %swap3A_150 = arith.constant 0 : index
      %swap3A_151 = tpu.vector_load %arg9[%swap3A, %swap3A_150] {strides = array<i32>} : memref<64x128xf32, #tpu.memory_space<vmem>>, vector<1x16xf32>,
      %swap3A_152 = vector.shape_cast %swap3A_151 : vector<1x16xf32> to vector<16xf32>
      %swap3A_153 = vector.shape_cast %broadcast_in_dim3A_34 : vector<16xf32> to vector<1x16xf32>
      tpu.vector_store %arg9[%swap3A, %swap3A_150], %swap3A_153 {strides = array<i32>} : memref<64x128xf32, #tpu.memory_space<vmem>>, vector<1x16xf32>,
      %swap3A_154 = arith.index_cast %scan3A_149 : i32 to index
      %swap3A_155 = arith.constant 16 : index
      %swap3A_156 = tpu.vector_load %arg9[%swap3A_154, %swap3A_155] {strides = array<i32>} : memref<64x128xf32, #tpu.memory_space<vmem>>, vector<1x16xf32>,
      %swap3A_157 = vector.shape_cast %swap3A_156 : vector<1x16xf32> to vector<16xf32>
      %swap3A_158 = vector.shape_cast %broadcast_in_dim3A_34 : vector<16xf32> to vector<1x16xf32>
      tpu.vector_store %arg9[%swap3A_154, %swap3A_155], %swap3A_158 {strides = array<i32>} : memref<64x128xf32, #tpu.memory_space<vmem>>, vector<1x16xf32>,
      %swap3A_159 = arith.index_cast %scan3A_149 : i32 to index
      %swap3A_160 = arith.constant 32 : index
      %swap3A_161 = tpu.vector_load %arg9[%swap3A_159, %swap3A_160] {strides = array<i32>} : memref<64x128xf32, #tpu.memory_space<vmem>>, vector<1x16xf32>,
      %swap3A_162 = vector.shape_cast %swap3A_161 : vector<1x16xf32> to vector<16xf32>
      %swap3A_163 = vector.shape_cast %broadcast_in_dim3A_34 : vector<16xf32> to vector<1x16xf32>
      tpu.vector_store %arg9[%swap3A_159, %swap3A_160], %swap3A_163 {strides = array<i32>} : memref<64x128xf32, #tpu.memory_space<vmem>>, vector<1x16xf32>,
      %swap3A_164 = arith.index_cast %scan3A_149 : i32 to index
      %swap3A_165 = arith.constant 48 : index
      %swap3A_166 = tpu.vector_load %arg9[%swap3A_164, %swap3A_165] {strides = array<i32>} : memref<64x128xf32, #tpu.memory_space<vmem>>, vector<1x16xf32>,
      %swap3A_167 = vector.shape_cast %swap3A_166 : vector<1x16xf32> to vector<16xf32>
      %swap3A_168 = vector.shape_cast %broadcast_in_dim3A_34 : vector<16xf32> to vector<1x16xf32>
      tpu.vector_store %arg9[%swap3A_164, %swap3A_165], %swap3A_168 {strides = array<i32>} : memref<64x128xf32, #tpu.memory_space<vmem>>, vector<1x16xf32>,
      %swap3A_169 = arith.index_cast %scan3A_149 : i32 to index
      %swap3A_170 = arith.constant 64 : index
      %swap3A_171 = tpu.vector_load %arg9[%swap3A_169, %swap3A_170] {strides = array<i32>} : memref<64x128xf32, #tpu.memory_space<vmem>>, vector<1x16xf32>,
      %swap3A_172 = vector.shape_cast %swap3A_171 : vector<1x16xf32> to vector<16xf32>
      %swap3A_173 = vector.shape_cast %broadcast_in_dim3A_34 : vector<16xf32> to vector<1x16xf32>
      tpu.vector_store %arg9[%swap3A_169, %swap3A_170], %swap3A_173 {strides = array<i32>} : memref<64x128xf32, #tpu.memory_space<vmem>>, vector<1x16xf32>,
      %swap3A_174 = arith.index_cast %scan3A_149 : i32 to index
      %swap3A_175 = arith.constant 80 : index
      %swap3A_176 = tpu.vector_load %arg9[%swap3A_174, %swap3A_175] {strides = array<i32>} : memref<64x128xf32, #tpu.memory_space<vmem>>, vector<1x16xf32>,
      %swap3A_177 = vector.shape_cast %swap3A_176 : vector<1x16xf32> to vector<16xf32>
      %swap3A_178 = vector.shape_cast %broadcast_in_dim3A_34 : vector<16xf32> to vector<1x16xf32>
      tpu.vector_store %arg9[%swap3A_174, %swap3A_175], %swap3A_178 {strides = array<i32>} : memref<64x128xf32, #tpu.memory_space<vmem>>, vector<1x16xf32>,
      %swap3A_179 = arith.index_cast %scan3A_149 : i32 to index
      %swap3A_180 = arith.constant 96 : index
      %swap3A_181 = tpu.vector_load %arg9[%swap3A_179, %swap3A_180] {strides = array<i32>} : memref<64x128xf32, #tpu.memory_space<vmem>>, vector<1x16xf32>,
      %swap3A_182 = vector.shape_cast %swap3A_181 : vector<1x16xf32> to vector<16xf32>
      %swap3A_183 = vector.shape_cast %broadcast_in_dim3A_34 : vector<16xf32> to vector<1x16xf32>
      tpu.vector_store %arg9[%swap3A_179, %swap3A_180], %swap3A_183 {strides = array<i32>} : memref<64x128xf32, #tpu.memory_space<vmem>>, vector<1x16xf32>,
      %swap3A_184 = arith.index_cast %scan3A_149 : i32 to index
      %swap3A_185 = arith.constant 112 : index
      %swap3A_186 = tpu.vector_load %arg9[%swap3A_184, %swap3A_185] {strides = array<i32>} : memref<64x128xf32, #tpu.memory_space<vmem>>, vector<1x16xf32>,
      %swap3A_187 = vector.shape_cast %swap3A_186 : vector<1x16xf32> to vector<16xf32>
      %swap3A_188 = vector.shape_cast %broadcast_in_dim3A_34 : vector<16xf32> to vector<1x16xf32>
      tpu.vector_store %arg9[%swap3A_184, %swap3A_185], %swap3A_188 {strides = array<i32>} : memref<64x128xf32, #tpu.memory_space<vmem>>, vector<1x16xf32>,
    }
    %scan3A_39 = arith.constant 64 : i32
    %lt3A_40 = arith.constant 15 : i32
    %lt3A_41 = arith.cmpi slt, %arg1, %lt3A_40 : i32
    %convert_element_type3A = arith.extui %lt3A_41 : i1 to i32
    %cond3A = arith.constant 0 : i32
    %cond3A_42 = arith.cmpi ne, %convert_element_type3A, %cond3A : i32
    scf.if %cond3A_42 {
      %mul3A_149 = arith.constant 64 : i32
      %mul3A_150 = arith.muli %arg1, %mul3A_149 : i32
      "tpu.region"() ({
        %run_scoped3A = tpu.sem_alloc : memref<!tpu.dma_semaphore, #tpu.memory_space<semaphore_mem>>
        %dma_start3A_151 = arith.constant 0 : i32
        %dma_start3A_152 = tpu.memref_slice %arg10[%mul3A_150, %dma_start3A_151] : memref<1000x128xf32, #tpu.memory_space<vmem_shared>> -> memref<64x128xf32, #tpu.memory_space<vmem_shared>>
        %dma_start3A_153 = arith.constant 0 : i32
        %dma_start3A_154 = tpu.memref_slice %arg10[%mul3A_150, %dma_start3A_153] : memref<1000x128xf32, #tpu.memory_space<vmem_shared>> -> memref<64x128xf32, #tpu.memory_space<vmem_shared>>
        tpu.enqueue_dma source(%arg9 : memref<64x128xf32, #tpu.memory_space<vmem>>) target(%dma_start3A_154 : memref<64x128xf32, #tpu.memory_space<vmem_shared>>) target_semaphore(%run_scoped3A : memref<!tpu.dma_semaphore, #tpu.memory_space<semaphore_mem>>)
        %dma_wait3A_155 = arith.constant 0 : i32
        %dma_wait3A_156 = tpu.memref_slice %arg10[%mul3A_150, %dma_wait3A_155] : memref<1000x128xf32, #tpu.memory_space<vmem_shared>> -> memref<64x128xf32, #tpu.memory_space<vmem_shared>>
        %dma_wait3A_157 = arith.constant 0 : i32
        %dma_wait3A_158 = tpu.memref_slice %arg10[%mul3A_150, %dma_wait3A_157] : memref<1000x128xf32, #tpu.memory_space<vmem_shared>> -> memref<64x128xf32, #tpu.memory_space<vmem_shared>>
        tpu.wait_dma2 semaphore(%run_scoped3A : memref<!tpu.dma_semaphore, #tpu.memory_space<semaphore_mem>>) src(%arg9 : memref<64x128xf32, #tpu.memory_space<vmem>>) dst(%dma_wait3A_158 : memref<64x128xf32, #tpu.memory_space<vmem_shared>>)
        tpu.yield
      }) : () -> ()
    } else {
    }
    %eq3A = arith.constant 15 : i32
    %eq3A_43 = arith.cmpi eq, %arg1, %eq3A : i32
    %convert_element_type3A_44 = arith.extui %eq3A_43 : i1 to i32
    %cond3A_45 = arith.constant 0 : i32
    %cond3A_46 = arith.cmpi ne, %convert_element_type3A_44, %cond3A_45 : i32
    scf.if %cond3A_46 {
      "tpu.region"() ({
        %run_scoped3A = tpu.sem_alloc : memref<!tpu.dma_semaphore, #tpu.memory_space<semaphore_mem>>
        %dma_start3A_149 = arith.constant 0 : i32
        %dma_start3A_150 = arith.constant 0 : i32
        %dma_start3A_151 = tpu.memref_slice %arg9[%dma_start3A_149, %dma_start3A_150] : memref<64x128xf32, #tpu.memory_space<vmem>> -> memref<40x128xf32, #tpu.memory_space<vmem>>
        %dma_start3A_152 = arith.constant 960 : i32
        %dma_start3A_153 = arith.constant 0 : i32
        %dma_start3A_154 = tpu.memref_slice %arg10[%dma_start3A_152, %dma_start3A_153] : memref<1000x128xf32, #tpu.memory_space<vmem_shared>> -> memref<40x128xf32, #tpu.memory_space<vmem_shared>>
        %dma_start3A_155 = arith.constant 960 : i32
        %dma_start3A_156 = arith.constant 0 : i32
        %dma_start3A_157 = tpu.memref_slice %arg10[%dma_start3A_155, %dma_start3A_156] : memref<1000x128xf32, #tpu.memory_space<vmem_shared>> -> memref<40x128xf32, #tpu.memory_space<vmem_shared>>
        %dma_start3A_158 = arith.constant 0 : i32
        %dma_start3A_159 = arith.constant 0 : i32
        %dma_start3A_160 = tpu.memref_slice %arg9[%dma_start3A_158, %dma_start3A_159] : memref<64x128xf32, #tpu.memory_space<vmem>> -> memref<40x128xf32, #tpu.memory_space<vmem>>
        tpu.enqueue_dma source(%dma_start3A_160 : memref<40x128xf32, #tpu.memory_space<vmem>>) target(%dma_start3A_157 : memref<40x128xf32, #tpu.memory_space<vmem_shared>>) target_semaphore(%run_scoped3A : memref<!tpu.dma_semaphore, #tpu.memory_space<semaphore_mem>>)
        %dma_wait3A_161 = arith.constant 0 : i32
        %dma_wait3A_162 = arith.constant 0 : i32
        %dma_wait3A_163 = tpu.memref_slice %arg9[%dma_wait3A_161, %dma_wait3A_162] : memref<64x128xf32, #tpu.memory_space<vmem>> -> memref<40x128xf32, #tpu.memory_space<vmem>>
        %dma_wait3A_164 = arith.constant 960 : i32
        %dma_wait3A_165 = arith.constant 0 : i32
        %dma_wait3A_166 = tpu.memref_slice %arg10[%dma_wait3A_164, %dma_wait3A_165] : memref<1000x128xf32, #tpu.memory_space<vmem_shared>> -> memref<40x128xf32, #tpu.memory_space<vmem_shared>>
        %dma_wait3A_167 = arith.constant 960 : i32
        %dma_wait3A_168 = arith.constant 0 : i32
        %dma_wait3A_169 = tpu.memref_slice %arg10[%dma_wait3A_167, %dma_wait3A_168] : memref<1000x128xf32, #tpu.memory_space<vmem_shared>> -> memref<40x128xf32, #tpu.memory_space<vmem_shared>>
        %dma_wait3A_170 = arith.constant 0 : i32
        %dma_wait3A_171 = arith.constant 0 : i32
        %dma_wait3A_172 = tpu.memref_slice %arg9[%dma_wait3A_170, %dma_wait3A_171] : memref<64x128xf32, #tpu.memory_space<vmem>> -> memref<40x128xf32, #tpu.memory_space<vmem>>
        tpu.wait_dma2 semaphore(%run_scoped3A : memref<!tpu.dma_semaphore, #tpu.memory_space<semaphore_mem>>) src(%dma_wait3A_172 : memref<40x128xf32, #tpu.memory_space<vmem>>) dst(%dma_wait3A_169 : memref<40x128xf32, #tpu.memory_space<vmem_shared>>)
        tpu.yield
      }) : () -> ()
    } else {
    }
    %while3A_47 = arith.constant 0 : i32
    %while3A_48 = arith.constant 0 : i32
    %while3A_49 = arith.subi %add3A_4, %while3A_48 : i32
    %while3A_50 = arith.addi %while3A_48, %while3A_49 : i32
    %while3A_51 = arith.constant 1 : i32
    %while3A_52 = arith.divsi %while3A_49, %while3A_51 : i32
    %while3A_53 = arith.muli %while3A_52, %while3A_51 : i32
    %while3A_54 = arith.addi %while3A_48, %while3A_53 : i32
    %while3A_55 = arith.constant 1 : i32
    scf.for %while3A_149 = %while3A_48 to %while3A_54 step %while3A_55  : i32 {
      %dma_wait3A_150 = arith.constant 0 : i32
      %dma_wait3A_151 = arith.constant 0 : i32
      %dma_wait3A_152 = tpu.memref_slice %arg6[%dma_wait3A_150, %dma_wait3A_151] : memref<18x128xi32, #tpu.memory_space<vmem>> -> memref<1x128xi32, #tpu.memory_space<vmem>>
      %dma_wait3A_153 = tpu.memref_squeeze %dma_wait3A_152 : memref<1x128xi32, #tpu.memory_space<vmem>> -> memref<128xi32, #tpu.memory_space<vmem>>
      %dma_wait3A_154 = arith.constant 0 : i32
      %dma_wait3A_155 = tpu.memref_slice %arg3[%dma_wait3A_154] : memref<100000xi32, #tpu.memory_space<hbm>> -> memref<128xi32, #tpu.memory_space<hbm>>
      %dma_wait3A_156 = arith.constant 0 : i32
      %dma_wait3A_157 = tpu.memref_slice %arg6[%dma_wait3A_150, %dma_wait3A_156] : memref<18x128xi32, #tpu.memory_space<vmem>> -> memref<1x128xi32, #tpu.memory_space<vmem>>
      %dma_wait3A_158 = tpu.memref_squeeze %dma_wait3A_157 : memref<1x128xi32, #tpu.memory_space<vmem>> -> memref<128xi32, #tpu.memory_space<vmem>>
      %dma_wait3A_159 = arith.constant 0 : i32
      %dma_wait3A_160 = tpu.memref_slice %arg3[%dma_wait3A_159] : memref<100000xi32, #tpu.memory_space<hbm>> -> memref<128xi32, #tpu.memory_space<hbm>>
      tpu.wait_dma2 semaphore(%arg15 : memref<!tpu.dma_semaphore, #tpu.memory_space<semaphore_mem>>) src(%dma_wait3A_160 : memref<128xi32, #tpu.memory_space<hbm>>) dst(%dma_wait3A_158 : memref<128xi32, #tpu.memory_space<vmem>>)
      %dma_wait3A_161 = arith.constant 0 : i32
      %dma_wait3A_162 = arith.constant 0 : i32
      %dma_wait3A_163 = tpu.memref_slice %arg6[%dma_wait3A_161, %dma_wait3A_162] : memref<18x128xi32, #tpu.memory_space<vmem>> -> memref<1x128xi32, #tpu.memory_space<vmem>>
      %dma_wait3A_164 = tpu.memref_squeeze %dma_wait3A_163 : memref<1x128xi32, #tpu.memory_space<vmem>> -> memref<128xi32, #tpu.memory_space<vmem>>
      %dma_wait3A_165 = arith.constant 0 : i32
      %dma_wait3A_166 = tpu.memref_slice %arg3[%dma_wait3A_165] : memref<100000xi32, #tpu.memory_space<hbm>> -> memref<128xi32, #tpu.memory_space<hbm>>
      %dma_wait3A_167 = arith.constant 0 : i32
      %dma_wait3A_168 = tpu.memref_slice %arg6[%dma_wait3A_161, %dma_wait3A_167] : memref<18x128xi32, #tpu.memory_space<vmem>> -> memref<1x128xi32, #tpu.memory_space<vmem>>
      %dma_wait3A_169 = tpu.memref_squeeze %dma_wait3A_168 : memref<1x128xi32, #tpu.memory_space<vmem>> -> memref<128xi32, #tpu.memory_space<vmem>>
      %dma_wait3A_170 = arith.constant 0 : i32
      %dma_wait3A_171 = tpu.memref_slice %arg3[%dma_wait3A_170] : memref<100000xi32, #tpu.memory_space<hbm>> -> memref<128xi32, #tpu.memory_space<hbm>>
      tpu.wait_dma2 semaphore(%arg15 : memref<!tpu.dma_semaphore, #tpu.memory_space<semaphore_mem>>) src(%dma_wait3A_171 : memref<128xi32, #tpu.memory_space<hbm>>) dst(%dma_wait3A_169 : memref<128xi32, #tpu.memory_space<vmem>>)
      %dma_wait3A_172 = arith.constant 0 : i32
      %dma_wait3A_173 = arith.constant 0 : i32
      %dma_wait3A_174 = tpu.memref_slice %arg6[%dma_wait3A_172, %dma_wait3A_173] : memref<18x128xi32, #tpu.memory_space<vmem>> -> memref<1x128xi32, #tpu.memory_space<vmem>>
      %dma_wait3A_175 = tpu.memref_squeeze %dma_wait3A_174 : memref<1x128xi32, #tpu.memory_space<vmem>> -> memref<128xi32, #tpu.memory_space<vmem>>
      %dma_wait3A_176 = arith.constant 0 : i32
      %dma_wait3A_177 = tpu.memref_slice %arg3[%dma_wait3A_176] : memref<100000xi32, #tpu.memory_space<hbm>> -> memref<128xi32, #tpu.memory_space<hbm>>
      %dma_wait3A_178 = arith.constant 0 : i32
      %dma_wait3A_179 = tpu.memref_slice %arg6[%dma_wait3A_172, %dma_wait3A_178] : memref<18x128xi32, #tpu.memory_space<vmem>> -> memref<1x128xi32, #tpu.memory_space<vmem>>
      %dma_wait3A_180 = tpu.memref_squeeze %dma_wait3A_179 : memref<1x128xi32, #tpu.memory_space<vmem>> -> memref<128xi32, #tpu.memory_space<vmem>>
      %dma_wait3A_181 = arith.constant 0 : i32
      %dma_wait3A_182 = tpu.memref_slice %arg3[%dma_wait3A_181] : memref<100000xi32, #tpu.memory_space<hbm>> -> memref<128xi32, #tpu.memory_space<hbm>>
      tpu.wait_dma2 semaphore(%arg15 : memref<!tpu.dma_semaphore, #tpu.memory_space<semaphore_mem>>) src(%dma_wait3A_182 : memref<128xi32, #tpu.memory_space<hbm>>) dst(%dma_wait3A_180 : memref<128xi32, #tpu.memory_space<vmem>>)
    }
    %while3A_56 = arith.constant 1 : i32
    scf.for %while3A_149 = %while3A_54 to %while3A_50 step %while3A_56  : i32 {
      %dma_wait3A_150 = arith.constant 0 : i32
      %dma_wait3A_151 = arith.constant 0 : i32
      %dma_wait3A_152 = tpu.memref_slice %arg6[%dma_wait3A_150, %dma_wait3A_151] : memref<18x128xi32, #tpu.memory_space<vmem>> -> memref<1x128xi32, #tpu.memory_space<vmem>>
      %dma_wait3A_153 = tpu.memref_squeeze %dma_wait3A_152 : memref<1x128xi32, #tpu.memory_space<vmem>> -> memref<128xi32, #tpu.memory_space<vmem>>
      %dma_wait3A_154 = arith.constant 0 : i32
      %dma_wait3A_155 = tpu.memref_slice %arg3[%dma_wait3A_154] : memref<100000xi32, #tpu.memory_space<hbm>> -> memref<128xi32, #tpu.memory_space<hbm>>
      %dma_wait3A_156 = arith.constant 0 : i32
      %dma_wait3A_157 = tpu.memref_slice %arg6[%dma_wait3A_150, %dma_wait3A_156] : memref<18x128xi32, #tpu.memory_space<vmem>> -> memref<1x128xi32, #tpu.memory_space<vmem>>
      %dma_wait3A_158 = tpu.memref_squeeze %dma_wait3A_157 : memref<1x128xi32, #tpu.memory_space<vmem>> -> memref<128xi32, #tpu.memory_space<vmem>>
      %dma_wait3A_159 = arith.constant 0 : i32
      %dma_wait3A_160 = tpu.memref_slice %arg3[%dma_wait3A_159] : memref<100000xi32, #tpu.memory_space<hbm>> -> memref<128xi32, #tpu.memory_space<hbm>>
      tpu.wait_dma2 semaphore(%arg15 : memref<!tpu.dma_semaphore, #tpu.memory_space<semaphore_mem>>) src(%dma_wait3A_160 : memref<128xi32, #tpu.memory_space<hbm>>) dst(%dma_wait3A_158 : memref<128xi32, #tpu.memory_space<vmem>>)
      %dma_wait3A_161 = arith.constant 0 : i32
      %dma_wait3A_162 = arith.constant 0 : i32
      %dma_wait3A_163 = tpu.memref_slice %arg6[%dma_wait3A_161, %dma_wait3A_162] : memref<18x128xi32, #tpu.memory_space<vmem>> -> memref<1x128xi32, #tpu.memory_space<vmem>>
      %dma_wait3A_164 = tpu.memref_squeeze %dma_wait3A_163 : memref<1x128xi32, #tpu.memory_space<vmem>> -> memref<128xi32, #tpu.memory_space<vmem>>
      %dma_wait3A_165 = arith.constant 0 : i32
      %dma_wait3A_166 = tpu.memref_slice %arg3[%dma_wait3A_165] : memref<100000xi32, #tpu.memory_space<hbm>> -> memref<128xi32, #tpu.memory_space<hbm>>
      %dma_wait3A_167 = arith.constant 0 : i32
      %dma_wait3A_168 = tpu.memref_slice %arg6[%dma_wait3A_161, %dma_wait3A_167] : memref<18x128xi32, #tpu.memory_space<vmem>> -> memref<1x128xi32, #tpu.memory_space<vmem>>
      %dma_wait3A_169 = tpu.memref_squeeze %dma_wait3A_168 : memref<1x128xi32, #tpu.memory_space<vmem>> -> memref<128xi32, #tpu.memory_space<vmem>>
      %dma_wait3A_170 = arith.constant 0 : i32
      %dma_wait3A_171 = tpu.memref_slice %arg3[%dma_wait3A_170] : memref<100000xi32, #tpu.memory_space<hbm>> -> memref<128xi32, #tpu.memory_space<hbm>>
      tpu.wait_dma2 semaphore(%arg15 : memref<!tpu.dma_semaphore, #tpu.memory_space<semaphore_mem>>) src(%dma_wait3A_171 : memref<128xi32, #tpu.memory_space<hbm>>) dst(%dma_wait3A_169 : memref<128xi32, #tpu.memory_space<vmem>>)
      %dma_wait3A_172 = arith.constant 0 : i32
      %dma_wait3A_173 = arith.constant 0 : i32
      %dma_wait3A_174 = tpu.memref_slice %arg6[%dma_wait3A_172, %dma_wait3A_173] : memref<18x128xi32, #tpu.memory_space<vmem>> -> memref<1x128xi32, #tpu.memory_space<vmem>>
      %dma_wait3A_175 = tpu.memref_squeeze %dma_wait3A_174 : memref<1x128xi32, #tpu.memory_space<vmem>> -> memref<128xi32, #tpu.memory_space<vmem>>
      %dma_wait3A_176 = arith.constant 0 : i32
      %dma_wait3A_177 = tpu.memref_slice %arg3[%dma_wait3A_176] : memref<100000xi32, #tpu.memory_space<hbm>> -> memref<128xi32, #tpu.memory_space<hbm>>
      %dma_wait3A_178 = arith.constant 0 : i32
      %dma_wait3A_179 = tpu.memref_slice %arg6[%dma_wait3A_172, %dma_wait3A_178] : memref<18x128xi32, #tpu.memory_space<vmem>> -> memref<1x128xi32, #tpu.memory_space<vmem>>
      %dma_wait3A_180 = tpu.memref_squeeze %dma_wait3A_179 : memref<1x128xi32, #tpu.memory_space<vmem>> -> memref<128xi32, #tpu.memory_space<vmem>>
      %dma_wait3A_181 = arith.constant 0 : i32
      %dma_wait3A_182 = tpu.memref_slice %arg3[%dma_wait3A_181] : memref<100000xi32, #tpu.memory_space<hbm>> -> memref<128xi32, #tpu.memory_space<hbm>>
      tpu.wait_dma2 semaphore(%arg15 : memref<!tpu.dma_semaphore, #tpu.memory_space<semaphore_mem>>) src(%dma_wait3A_182 : memref<128xi32, #tpu.memory_space<hbm>>) dst(%dma_wait3A_180 : memref<128xi32, #tpu.memory_space<vmem>>)
    }
    %barrier3A = arith.constant 0 : index
    tpu.barrier barrier_id(%barrier3A)
    %while3A_57 = arith.constant 0 : i32
    %while3A_58 = arith.constant 0 : i32
    %while3A_59 = arith.subi %add3A_4, %while3A_58 : i32
    %while3A_60 = arith.addi %while3A_58, %while3A_59 : i32
    %while3A_61 = arith.constant 1 : i32
    %while3A_62 = arith.divsi %while3A_59, %while3A_61 : i32
    %while3A_63 = arith.muli %while3A_62, %while3A_61 : i32
    %while3A_64 = arith.addi %while3A_58, %while3A_63 : i32
    %while3A_65 = arith.constant 1 : i32
    scf.for %while3A_149 = %while3A_58 to %while3A_64 step %while3A_65  : i32 {
      %jit3A_150 = arith.constant 2 : i32
      %eq3A_151 = arith.constant 0 : i32
      %eq3A_152 = arith.cmpi eq, %jit3A_150, %eq3A_151 : i32
      %jit3A_153 = arith.constant 1 : i32
      %select_n3A_154 = arith.select %eq3A_152, %jit3A_153, %jit3A_150 : i32
      %rem3A = arith.remsi %while3A_149, %select_n3A_154 : i32
      %ne3A = arith.constant 0 : i32
      %ne3A_155 = arith.cmpi ne, %rem3A, %ne3A : i32
      %lt3A_156 = arith.constant 0 : i32
      %lt3A_157 = arith.cmpi slt, %rem3A, %lt3A_156 : i32
      %lt3A_158 = arith.constant 0 : i32
      %lt3A_159 = arith.cmpi slt, %select_n3A_154, %lt3A_158 : i32
      %ne3A_160 = arith.xori %lt3A_157, %lt3A_159 : i1
      %and3A = arith.andi %ne3A_160, %ne3A_155 : i1
      %add3A_161 = arith.addi %rem3A, %select_n3A_154 : i32
      %select_n3A_162 = arith.select %and3A, %add3A_161, %rem3A : i32
      %eq3A_163 = arith.constant 0 : i32
      %eq3A_164 = arith.cmpi eq, %select_n3A_162, %eq3A_163 : i32
      %convert_element_type3A_165 = arith.extui %eq3A_164 : i1 to i32
      %cond3A_166 = arith.constant 0 : i32
      %cond3A_167 = arith.cmpi ne, %convert_element_type3A_165, %cond3A_166 : i32
      scf.if %cond3A_167 {
        %dma_wait3A_189 = arith.constant 0 : i32
        %dma_wait3A_190 = arith.constant 0 : i32
        %dma_wait3A_191 = arith.constant 0 : i32
        %dma_wait3A_192 = tpu.memref_slice %arg5[%dma_wait3A_189, %dma_wait3A_190, %dma_wait3A_191] : memref<2x384x128xf32, #tpu.memory_space<vmem>> -> memref<1x384x128xf32, #tpu.memory_space<vmem>>
        %dma_wait3A_193 = tpu.memref_squeeze %dma_wait3A_192 : memref<1x384x128xf32, #tpu.memory_space<vmem>> -> memref<384x128xf32, #tpu.memory_space<vmem>>
        %dma_wait3A_194 = arith.constant 0 : i32
        %dma_wait3A_195 = arith.constant 0 : i32
        %dma_wait3A_196 = tpu.memref_slice %arg2[%dma_wait3A_194, %dma_wait3A_195] : memref<100000x128xf32, #tpu.memory_space<hbm>> -> memref<384x128xf32, #tpu.memory_space<hbm>>
        %dma_wait3A_197 = arith.constant 0 : i32
        %dma_wait3A_198 = arith.constant 0 : i32
        %dma_wait3A_199 = tpu.memref_slice %arg5[%dma_wait3A_189, %dma_wait3A_197, %dma_wait3A_198] : memref<2x384x128xf32, #tpu.memory_space<vmem>> -> memref<1x384x128xf32, #tpu.memory_space<vmem>>
        %dma_wait3A_200 = tpu.memref_squeeze %dma_wait3A_199 : memref<1x384x128xf32, #tpu.memory_space<vmem>> -> memref<384x128xf32, #tpu.memory_space<vmem>>
        %dma_wait3A_201 = arith.constant 0 : i32
        %dma_wait3A_202 = arith.constant 0 : i32
        %dma_wait3A_203 = tpu.memref_slice %arg2[%dma_wait3A_201, %dma_wait3A_202] : memref<100000x128xf32, #tpu.memory_space<hbm>> -> memref<384x128xf32, #tpu.memory_space<hbm>>
        tpu.wait_dma2 semaphore(%arg11 : memref<!tpu.dma_semaphore, #tpu.memory_space<semaphore_mem>>) src(%dma_wait3A_203 : memref<384x128xf32, #tpu.memory_space<hbm>>) dst(%dma_wait3A_200 : memref<384x128xf32, #tpu.memory_space<vmem>>)
        %add3A_204 = arith.constant 1 : i32
        %add3A_205 = arith.addi %while3A_149, %add3A_204 : i32
        %lt3A_206 = arith.cmpi slt, %add3A_205, %add3A_4 : i32
        %convert_element_type3A_207 = arith.extui %lt3A_206 : i1 to i32
        %cond3A_208 = arith.constant 0 : i32
        %cond3A_209 = arith.cmpi ne, %convert_element_type3A_207, %cond3A_208 : i32
        scf.if %cond3A_209 {
          %ge3A = arith.constant 1 : i32
          %ge3A_255 = arith.cmpi sge, %while3A_149, %ge3A : i32
          %convert_element_type3A_256 = arith.extui %ge3A_255 : i1 to i32
          %cond3A_257 = arith.constant 0 : i32
          %cond3A_258 = arith.cmpi ne, %convert_element_type3A_256, %cond3A_257 : i32
          scf.if %cond3A_258 {
            %dma_wait3A_281 = arith.constant 1 : i32
            %dma_wait3A_282 = arith.constant 0 : i32
            %dma_wait3A_283 = arith.constant 0 : i32
            %dma_wait3A_284 = arith.constant 0 : i32
            %dma_wait3A_285 = tpu.memref_slice %arg5[%dma_wait3A_281, %dma_wait3A_283, %dma_wait3A_284] : memref<2x384x128xf32, #tpu.memory_space<vmem>> -> memref<1x128x128xf32, #tpu.memory_space<vmem>>
            %dma_wait3A_286 = tpu.memref_squeeze %dma_wait3A_285 : memref<1x128x128xf32, #tpu.memory_space<vmem>> -> memref<128x128xf32, #tpu.memory_space<vmem>>
            %dma_wait3A_287 = arith.constant 0 : i32
            %dma_wait3A_288 = tpu.memref_slice %arg6[%dma_wait3A_282, %dma_wait3A_287] : memref<18x128xi32, #tpu.memory_space<vmem>> -> memref<1x128xi32, #tpu.memory_space<vmem>>
            %dma_wait3A_289 = tpu.memref_squeeze %dma_wait3A_288 : memref<1x128xi32, #tpu.memory_space<vmem>> -> memref<128xi32, #tpu.memory_space<vmem>>
            %dma_wait3A_290 = arith.constant 0 : i32
            %dma_wait3A_291 = arith.constant 0 : i32
            %dma_wait3A_292 = tpu.memref_slice %arg10[%dma_wait3A_290, %dma_wait3A_291] : memref<1000x128xf32, #tpu.memory_space<vmem_shared>> -> memref<1000x128xf32, #tpu.memory_space<vmem_shared>>
            tpu.wait_indirect_dma semaphore(%arg14 : memref<!tpu.dma_semaphore, #tpu.memory_space<semaphore_mem>>) src(%dma_wait3A_286 : memref<128x128xf32, #tpu.memory_space<vmem>>) dst(%dma_wait3A_292 : memref<1000x128xf32, #tpu.memory_space<vmem_shared>>)
            %dma_wait3A_293 = arith.constant 1 : i32
            %dma_wait3A_294 = arith.constant 0 : i32
            %dma_wait3A_295 = arith.constant 128 : i32
            %dma_wait3A_296 = arith.constant 0 : i32
            %dma_wait3A_297 = tpu.memref_slice %arg5[%dma_wait3A_293, %dma_wait3A_295, %dma_wait3A_296] : memref<2x384x128xf32, #tpu.memory_space<vmem>> -> memref<1x128x128xf32, #tpu.memory_space<vmem>>
            %dma_wait3A_298 = tpu.memref_squeeze %dma_wait3A_297 : memref<1x128x128xf32, #tpu.memory_space<vmem>> -> memref<128x128xf32, #tpu.memory_space<vmem>>
            %dma_wait3A_299 = arith.constant 0 : i32
            %dma_wait3A_300 = tpu.memref_slice %arg6[%dma_wait3A_294, %dma_wait3A_299] : memref<18x128xi32, #tpu.memory_space<vmem>> -> memref<1x128xi32, #tpu.memory_space<vmem>>
            %dma_wait3A_301 = tpu.memref_squeeze %dma_wait3A_300 : memref<1x128xi32, #tpu.memory_space<vmem>> -> memref<128xi32, #tpu.memory_space<vmem>>
            %dma_wait3A_302 = arith.constant 0 : i32
            %dma_wait3A_303 = arith.constant 0 : i32
            %dma_wait3A_304 = tpu.memref_slice %arg10[%dma_wait3A_302, %dma_wait3A_303] : memref<1000x128xf32, #tpu.memory_space<vmem_shared>> -> memref<1000x128xf32, #tpu.memory_space<vmem_shared>>
            tpu.wait_indirect_dma semaphore(%arg14 : memref<!tpu.dma_semaphore, #tpu.memory_space<semaphore_mem>>) src(%dma_wait3A_298 : memref<128x128xf32, #tpu.memory_space<vmem>>) dst(%dma_wait3A_304 : memref<1000x128xf32, #tpu.memory_space<vmem_shared>>)
            %dma_wait3A_305 = arith.constant 1 : i32
            %dma_wait3A_306 = arith.constant 0 : i32
            %dma_wait3A_307 = arith.constant 256 : i32
            %dma_wait3A_308 = arith.constant 0 : i32
            %dma_wait3A_309 = tpu.memref_slice %arg5[%dma_wait3A_305, %dma_wait3A_307, %dma_wait3A_308] : memref<2x384x128xf32, #tpu.memory_space<vmem>> -> memref<1x128x128xf32, #tpu.memory_space<vmem>>
            %dma_wait3A_310 = tpu.memref_squeeze %dma_wait3A_309 : memref<1x128x128xf32, #tpu.memory_space<vmem>> -> memref<128x128xf32, #tpu.memory_space<vmem>>
            %dma_wait3A_311 = arith.constant 0 : i32
            %dma_wait3A_312 = tpu.memref_slice %arg6[%dma_wait3A_306, %dma_wait3A_311] : memref<18x128xi32, #tpu.memory_space<vmem>> -> memref<1x128xi32, #tpu.memory_space<vmem>>
            %dma_wait3A_313 = tpu.memref_squeeze %dma_wait3A_312 : memref<1x128xi32, #tpu.memory_space<vmem>> -> memref<128xi32, #tpu.memory_space<vmem>>
            %dma_wait3A_314 = arith.constant 0 : i32
            %dma_wait3A_315 = arith.constant 0 : i32
            %dma_wait3A_316 = tpu.memref_slice %arg10[%dma_wait3A_314, %dma_wait3A_315] : memref<1000x128xf32, #tpu.memory_space<vmem_shared>> -> memref<1000x128xf32, #tpu.memory_space<vmem_shared>>
            tpu.wait_indirect_dma semaphore(%arg14 : memref<!tpu.dma_semaphore, #tpu.memory_space<semaphore_mem>>) src(%dma_wait3A_310 : memref<128x128xf32, #tpu.memory_space<vmem>>) dst(%dma_wait3A_316 : memref<1000x128xf32, #tpu.memory_space<vmem_shared>>)
          } else {
          }
          %add3A_259 = arith.constant 1 : i32
          %add3A_260 = arith.addi %while3A_149, %add3A_259 : i32
          %mul3A_261 = arith.constant 32 : i32
          %mul3A_262 = arith.muli %add3A_260, %mul3A_261 : i32
          %add3A_263 = arith.addi %add3A, %mul3A_262 : i32
          %mul3A_264 = arith.constant 384 : i32
          %mul3A_265 = arith.muli %add3A_263, %mul3A_264 : i32
          %add3A_266 = arith.constant 26624 : i32
          %add3A_267 = arith.addi %add3A_266, %mul3A_265 : i32
          %dma_start3A_268 = arith.constant 1 : i32
          %dma_start3A_269 = arith.constant 0 : i32
          %dma_start3A_270 = arith.constant 0 : i32
          %dma_start3A_271 = tpu.memref_slice %arg5[%dma_start3A_268, %dma_start3A_269, %dma_start3A_270] : memref<2x384x128xf32, #tpu.memory_space<vmem>> -> memref<1x384x128xf32, #tpu.memory_space<vmem>>
          %dma_start3A_272 = tpu.memref_squeeze %dma_start3A_271 : memref<1x384x128xf32, #tpu.memory_space<vmem>> -> memref<384x128xf32, #tpu.memory_space<vmem>>
          %dma_start3A_273 = arith.constant 0 : i32
          %dma_start3A_274 = tpu.memref_slice %arg2[%add3A_267, %dma_start3A_273] : memref<100000x128xf32, #tpu.memory_space<hbm>> -> memref<384x128xf32, #tpu.memory_space<hbm>>
          %dma_start3A_275 = arith.constant 0 : i32
          %dma_start3A_276 = arith.constant 0 : i32
          %dma_start3A_277 = tpu.memref_slice %arg5[%dma_start3A_268, %dma_start3A_275, %dma_start3A_276] : memref<2x384x128xf32, #tpu.memory_space<vmem>> -> memref<1x384x128xf32, #tpu.memory_space<vmem>>
          %dma_start3A_278 = tpu.memref_squeeze %dma_start3A_277 : memref<1x384x128xf32, #tpu.memory_space<vmem>> -> memref<384x128xf32, #tpu.memory_space<vmem>>
          %dma_start3A_279 = arith.constant 0 : i32
          %dma_start3A_280 = tpu.memref_slice %arg2[%add3A_267, %dma_start3A_279] : memref<100000x128xf32, #tpu.memory_space<hbm>> -> memref<384x128xf32, #tpu.memory_space<hbm>>
          tpu.enqueue_dma source(%dma_start3A_280 : memref<384x128xf32, #tpu.memory_space<hbm>>) target(%dma_start3A_278 : memref<384x128xf32, #tpu.memory_space<vmem>>) target_semaphore(%arg12 : memref<!tpu.dma_semaphore, #tpu.memory_space<semaphore_mem>>)
        } else {
        }
        %mul3A_210 = arith.constant 3 : i32
        %mul3A_211 = arith.muli %while3A_149, %mul3A_210 : i32
        %add3A_212 = arith.constant 0 : i32
        %add3A_213 = arith.addi %mul3A_211, %add3A_212 : i32
        %dma_start3A_214 = arith.constant 0 : i32
        %dma_start3A_215 = arith.constant 0 : i32
        %dma_start3A_216 = arith.constant 0 : i32
        %dma_start3A_217 = tpu.memref_slice %arg5[%dma_start3A_214, %dma_start3A_215, %dma_start3A_216] : memref<2x384x128xf32, #tpu.memory_space<vmem>> -> memref<1x128x128xf32, #tpu.memory_space<vmem>>
        %dma_start3A_218 = tpu.memref_squeeze %dma_start3A_217 : memref<1x128x128xf32, #tpu.memory_space<vmem>> -> memref<128x128xf32, #tpu.memory_space<vmem>>
        %dma_start3A_219 = arith.constant 0 : i32
        %dma_start3A_220 = tpu.memref_slice %arg6[%add3A_213, %dma_start3A_219] : memref<18x128xi32, #tpu.memory_space<vmem>> -> memref<1x128xi32, #tpu.memory_space<vmem>>
        %dma_start3A_221 = tpu.memref_squeeze %dma_start3A_220 : memref<1x128xi32, #tpu.memory_space<vmem>> -> memref<128xi32, #tpu.memory_space<vmem>>
        %dma_start3A_222 = arith.constant 0 : i32
        %dma_start3A_223 = arith.constant 0 : i32
        %dma_start3A_224 = tpu.memref_slice %arg10[%dma_start3A_222, %dma_start3A_223] : memref<1000x128xf32, #tpu.memory_space<vmem_shared>> -> memref<1000x128xf32, #tpu.memory_space<vmem_shared>>
        tpu.enqueue_indirect_dma source(%dma_start3A_218 : memref<128x128xf32, #tpu.memory_space<vmem>>) target(%dma_start3A_224 : memref<1000x128xf32, #tpu.memory_space<vmem_shared>>) offsets(%dma_start3A_221 : memref<128xi32, #tpu.memory_space<vmem>>) semaphore(%arg13 : memref<!tpu.dma_semaphore, #tpu.memory_space<semaphore_mem>>) {add = true}
        %mul3A_225 = arith.constant 3 : i32
        %mul3A_226 = arith.muli %while3A_149, %mul3A_225 : i32
        %add3A_227 = arith.constant 1 : i32
        %add3A_228 = arith.addi %mul3A_226, %add3A_227 : i32
        %dma_start3A_229 = arith.constant 0 : i32
        %dma_start3A_230 = arith.constant 128 : i32
        %dma_start3A_231 = arith.constant 0 : i32
        %dma_start3A_232 = tpu.memref_slice %arg5[%dma_start3A_229, %dma_start3A_230, %dma_start3A_231] : memref<2x384x128xf32, #tpu.memory_space<vmem>> -> memref<1x128x128xf32, #tpu.memory_space<vmem>>
        %dma_start3A_233 = tpu.memref_squeeze %dma_start3A_232 : memref<1x128x128xf32, #tpu.memory_space<vmem>> -> memref<128x128xf32, #tpu.memory_space<vmem>>
        %dma_start3A_234 = arith.constant 0 : i32
        %dma_start3A_235 = tpu.memref_slice %arg6[%add3A_228, %dma_start3A_234] : memref<18x128xi32, #tpu.memory_space<vmem>> -> memref<1x128xi32, #tpu.memory_space<vmem>>
        %dma_start3A_236 = tpu.memref_squeeze %dma_start3A_235 : memref<1x128xi32, #tpu.memory_space<vmem>> -> memref<128xi32, #tpu.memory_space<vmem>>
        %dma_start3A_237 = arith.constant 0 : i32
        %dma_start3A_238 = arith.constant 0 : i32
        %dma_start3A_239 = tpu.memref_slice %arg10[%dma_start3A_237, %dma_start3A_238] : memref<1000x128xf32, #tpu.memory_space<vmem_shared>> -> memref<1000x128xf32, #tpu.memory_space<vmem_shared>>
        tpu.enqueue_indirect_dma source(%dma_start3A_233 : memref<128x128xf32, #tpu.memory_space<vmem>>) target(%dma_start3A_239 : memref<1000x128xf32, #tpu.memory_space<vmem_shared>>) offsets(%dma_start3A_236 : memref<128xi32, #tpu.memory_space<vmem>>) semaphore(%arg13 : memref<!tpu.dma_semaphore, #tpu.memory_space<semaphore_mem>>) {add = true}
        %mul3A_240 = arith.constant 3 : i32
        %mul3A_241 = arith.muli %while3A_149, %mul3A_240 : i32
        %add3A_242 = arith.constant 2 : i32
        %add3A_243 = arith.addi %mul3A_241, %add3A_242 : i32
        %dma_start3A_244 = arith.constant 0 : i32
        %dma_start3A_245 = arith.constant 256 : i32
        %dma_start3A_246 = arith.constant 0 : i32
        %dma_start3A_247 = tpu.memref_slice %arg5[%dma_start3A_244, %dma_start3A_245, %dma_start3A_246] : memref<2x384x128xf32, #tpu.memory_space<vmem>> -> memref<1x128x128xf32, #tpu.memory_space<vmem>>
        %dma_start3A_248 = tpu.memref_squeeze %dma_start3A_247 : memref<1x128x128xf32, #tpu.memory_space<vmem>> -> memref<128x128xf32, #tpu.memory_space<vmem>>
        %dma_start3A_249 = arith.constant 0 : i32
        %dma_start3A_250 = tpu.memref_slice %arg6[%add3A_243, %dma_start3A_249] : memref<18x128xi32, #tpu.memory_space<vmem>> -> memref<1x128xi32, #tpu.memory_space<vmem>>
        %dma_start3A_251 = tpu.memref_squeeze %dma_start3A_250 : memref<1x128xi32, #tpu.memory_space<vmem>> -> memref<128xi32, #tpu.memory_space<vmem>>
        %dma_start3A_252 = arith.constant 0 : i32
        %dma_start3A_253 = arith.constant 0 : i32
        %dma_start3A_254 = tpu.memref_slice %arg10[%dma_start3A_252, %dma_start3A_253] : memref<1000x128xf32, #tpu.memory_space<vmem_shared>> -> memref<1000x128xf32, #tpu.memory_space<vmem_shared>>
        tpu.enqueue_indirect_dma source(%dma_start3A_248 : memref<128x128xf32, #tpu.memory_space<vmem>>) target(%dma_start3A_254 : memref<1000x128xf32, #tpu.memory_space<vmem_shared>>) offsets(%dma_start3A_251 : memref<128xi32, #tpu.memory_space<vmem>>) semaphore(%arg13 : memref<!tpu.dma_semaphore, #tpu.memory_space<semaphore_mem>>) {add = true}
      } else {
      }
      %jit3A_168 = arith.constant 2 : i32
      %eq3A_169 = arith.constant 0 : i32
      %eq3A_170 = arith.cmpi eq, %jit3A_168, %eq3A_169 : i32
      %jit3A_171 = arith.constant 1 : i32
      %select_n3A_172 = arith.select %eq3A_170, %jit3A_171, %jit3A_168 : i32
      %rem3A_173 = arith.remsi %while3A_149, %select_n3A_172 : i32
      %ne3A_174 = arith.constant 0 : i32
      %ne3A_175 = arith.cmpi ne, %rem3A_173, %ne3A_174 : i32
      %lt3A_176 = arith.constant 0 : i32
      %lt3A_177 = arith.cmpi slt, %rem3A_173, %lt3A_176 : i32
      %lt3A_178 = arith.constant 0 : i32
      %lt3A_179 = arith.cmpi slt, %select_n3A_172, %lt3A_178 : i32
      %ne3A_180 = arith.xori %lt3A_177, %lt3A_179 : i1
      %and3A_181 = arith.andi %ne3A_180, %ne3A_175 : i1
      %add3A_182 = arith.addi %rem3A_173, %select_n3A_172 : i32
      %select_n3A_183 = arith.select %and3A_181, %add3A_182, %rem3A_173 : i32
      %eq3A_184 = arith.constant 1 : i32
      %eq3A_185 = arith.cmpi eq, %select_n3A_183, %eq3A_184 : i32
      %convert_element_type3A_186 = arith.extui %eq3A_185 : i1 to i32
      %cond3A_187 = arith.constant 0 : i32
      %cond3A_188 = arith.cmpi ne, %convert_element_type3A_186, %cond3A_187 : i32
      scf.if %cond3A_188 {
        %dma_wait3A_189 = arith.constant 1 : i32
        %dma_wait3A_190 = arith.constant 0 : i32
        %dma_wait3A_191 = arith.constant 0 : i32
        %dma_wait3A_192 = tpu.memref_slice %arg5[%dma_wait3A_189, %dma_wait3A_190, %dma_wait3A_191] : memref<2x384x128xf32, #tpu.memory_space<vmem>> -> memref<1x384x128xf32, #tpu.memory_space<vmem>>
        %dma_wait3A_193 = tpu.memref_squeeze %dma_wait3A_192 : memref<1x384x128xf32, #tpu.memory_space<vmem>> -> memref<384x128xf32, #tpu.memory_space<vmem>>
        %dma_wait3A_194 = arith.constant 0 : i32
        %dma_wait3A_195 = arith.constant 0 : i32
        %dma_wait3A_196 = tpu.memref_slice %arg2[%dma_wait3A_194, %dma_wait3A_195] : memref<100000x128xf32, #tpu.memory_space<hbm>> -> memref<384x128xf32, #tpu.memory_space<hbm>>
        %dma_wait3A_197 = arith.constant 0 : i32
        %dma_wait3A_198 = arith.constant 0 : i32
        %dma_wait3A_199 = tpu.memref_slice %arg5[%dma_wait3A_189, %dma_wait3A_197, %dma_wait3A_198] : memref<2x384x128xf32, #tpu.memory_space<vmem>> -> memref<1x384x128xf32, #tpu.memory_space<vmem>>
        %dma_wait3A_200 = tpu.memref_squeeze %dma_wait3A_199 : memref<1x384x128xf32, #tpu.memory_space<vmem>> -> memref<384x128xf32, #tpu.memory_space<vmem>>
        %dma_wait3A_201 = arith.constant 0 : i32
        %dma_wait3A_202 = arith.constant 0 : i32
        %dma_wait3A_203 = tpu.memref_slice %arg2[%dma_wait3A_201, %dma_wait3A_202] : memref<100000x128xf32, #tpu.memory_space<hbm>> -> memref<384x128xf32, #tpu.memory_space<hbm>>
        tpu.wait_dma2 semaphore(%arg12 : memref<!tpu.dma_semaphore, #tpu.memory_space<semaphore_mem>>) src(%dma_wait3A_203 : memref<384x128xf32, #tpu.memory_space<hbm>>) dst(%dma_wait3A_200 : memref<384x128xf32, #tpu.memory_space<vmem>>)
        %add3A_204 = arith.constant 1 : i32
        %add3A_205 = arith.addi %while3A_149, %add3A_204 : i32
        %lt3A_206 = arith.cmpi slt, %add3A_205, %add3A_4 : i32
        %convert_element_type3A_207 = arith.extui %lt3A_206 : i1 to i32
        %cond3A_208 = arith.constant 0 : i32
        %cond3A_209 = arith.cmpi ne, %convert_element_type3A_207, %cond3A_208 : i32
        scf.if %cond3A_209 {
          %ge3A = arith.constant 1 : i32
          %ge3A_255 = arith.cmpi sge, %while3A_149, %ge3A : i32
          %convert_element_type3A_256 = arith.extui %ge3A_255 : i1 to i32
          %cond3A_257 = arith.constant 0 : i32
          %cond3A_258 = arith.cmpi ne, %convert_element_type3A_256, %cond3A_257 : i32
          scf.if %cond3A_258 {
            %dma_wait3A_281 = arith.constant 0 : i32
            %dma_wait3A_282 = arith.constant 0 : i32
            %dma_wait3A_283 = arith.constant 0 : i32
            %dma_wait3A_284 = arith.constant 0 : i32
            %dma_wait3A_285 = tpu.memref_slice %arg5[%dma_wait3A_281, %dma_wait3A_283, %dma_wait3A_284] : memref<2x384x128xf32, #tpu.memory_space<vmem>> -> memref<1x128x128xf32, #tpu.memory_space<vmem>>
            %dma_wait3A_286 = tpu.memref_squeeze %dma_wait3A_285 : memref<1x128x128xf32, #tpu.memory_space<vmem>> -> memref<128x128xf32, #tpu.memory_space<vmem>>
            %dma_wait3A_287 = arith.constant 0 : i32
            %dma_wait3A_288 = tpu.memref_slice %arg6[%dma_wait3A_282, %dma_wait3A_287] : memref<18x128xi32, #tpu.memory_space<vmem>> -> memref<1x128xi32, #tpu.memory_space<vmem>>
            %dma_wait3A_289 = tpu.memref_squeeze %dma_wait3A_288 : memref<1x128xi32, #tpu.memory_space<vmem>> -> memref<128xi32, #tpu.memory_space<vmem>>
            %dma_wait3A_290 = arith.constant 0 : i32
            %dma_wait3A_291 = arith.constant 0 : i32
            %dma_wait3A_292 = tpu.memref_slice %arg10[%dma_wait3A_290, %dma_wait3A_291] : memref<1000x128xf32, #tpu.memory_space<vmem_shared>> -> memref<1000x128xf32, #tpu.memory_space<vmem_shared>>
            tpu.wait_indirect_dma semaphore(%arg13 : memref<!tpu.dma_semaphore, #tpu.memory_space<semaphore_mem>>) src(%dma_wait3A_286 : memref<128x128xf32, #tpu.memory_space<vmem>>) dst(%dma_wait3A_292 : memref<1000x128xf32, #tpu.memory_space<vmem_shared>>)
            %dma_wait3A_293 = arith.constant 0 : i32
            %dma_wait3A_294 = arith.constant 0 : i32
            %dma_wait3A_295 = arith.constant 128 : i32
            %dma_wait3A_296 = arith.constant 0 : i32
            %dma_wait3A_297 = tpu.memref_slice %arg5[%dma_wait3A_293, %dma_wait3A_295, %dma_wait3A_296] : memref<2x384x128xf32, #tpu.memory_space<vmem>> -> memref<1x128x128xf32, #tpu.memory_space<vmem>>
            %dma_wait3A_298 = tpu.memref_squeeze %dma_wait3A_297 : memref<1x128x128xf32, #tpu.memory_space<vmem>> -> memref<128x128xf32, #tpu.memory_space<vmem>>
            %dma_wait3A_299 = arith.constant 0 : i32
            %dma_wait3A_300 = tpu.memref_slice %arg6[%dma_wait3A_294, %dma_wait3A_299] : memref<18x128xi32, #tpu.memory_space<vmem>> -> memref<1x128xi32, #tpu.memory_space<vmem>>
            %dma_wait3A_301 = tpu.memref_squeeze %dma_wait3A_300 : memref<1x128xi32, #tpu.memory_space<vmem>> -> memref<128xi32, #tpu.memory_space<vmem>>
            %dma_wait3A_302 = arith.constant 0 : i32
            %dma_wait3A_303 = arith.constant 0 : i32
            %dma_wait3A_304 = tpu.memref_slice %arg10[%dma_wait3A_302, %dma_wait3A_303] : memref<1000x128xf32, #tpu.memory_space<vmem_shared>> -> memref<1000x128xf32, #tpu.memory_space<vmem_shared>>
            tpu.wait_indirect_dma semaphore(%arg13 : memref<!tpu.dma_semaphore, #tpu.memory_space<semaphore_mem>>) src(%dma_wait3A_298 : memref<128x128xf32, #tpu.memory_space<vmem>>) dst(%dma_wait3A_304 : memref<1000x128xf32, #tpu.memory_space<vmem_shared>>)
            %dma_wait3A_305 = arith.constant 0 : i32
            %dma_wait3A_306 = arith.constant 0 : i32
            %dma_wait3A_307 = arith.constant 256 : i32
            %dma_wait3A_308 = arith.constant 0 : i32
            %dma_wait3A_309 = tpu.memref_slice %arg5[%dma_wait3A_305, %dma_wait3A_307, %dma_wait3A_308] : memref<2x384x128xf32, #tpu.memory_space<vmem>> -> memref<1x128x128xf32, #tpu.memory_space<vmem>>
            %dma_wait3A_310 = tpu.memref_squeeze %dma_wait3A_309 : memref<1x128x128xf32, #tpu.memory_space<vmem>> -> memref<128x128xf32, #tpu.memory_space<vmem>>
            %dma_wait3A_311 = arith.constant 0 : i32
            %dma_wait3A_312 = tpu.memref_slice %arg6[%dma_wait3A_306, %dma_wait3A_311] : memref<18x128xi32, #tpu.memory_space<vmem>> -> memref<1x128xi32, #tpu.memory_space<vmem>>
            %dma_wait3A_313 = tpu.memref_squeeze %dma_wait3A_312 : memref<1x128xi32, #tpu.memory_space<vmem>> -> memref<128xi32, #tpu.memory_space<vmem>>
            %dma_wait3A_314 = arith.constant 0 : i32
            %dma_wait3A_315 = arith.constant 0 : i32
            %dma_wait3A_316 = tpu.memref_slice %arg10[%dma_wait3A_314, %dma_wait3A_315] : memref<1000x128xf32, #tpu.memory_space<vmem_shared>> -> memref<1000x128xf32, #tpu.memory_space<vmem_shared>>
            tpu.wait_indirect_dma semaphore(%arg13 : memref<!tpu.dma_semaphore, #tpu.memory_space<semaphore_mem>>) src(%dma_wait3A_310 : memref<128x128xf32, #tpu.memory_space<vmem>>) dst(%dma_wait3A_316 : memref<1000x128xf32, #tpu.memory_space<vmem_shared>>)
          } else {
          }
          %add3A_259 = arith.constant 1 : i32
          %add3A_260 = arith.addi %while3A_149, %add3A_259 : i32
          %mul3A_261 = arith.constant 32 : i32
          %mul3A_262 = arith.muli %add3A_260, %mul3A_261 : i32
          %add3A_263 = arith.addi %add3A, %mul3A_262 : i32
          %mul3A_264 = arith.constant 384 : i32
          %mul3A_265 = arith.muli %add3A_263, %mul3A_264 : i32
          %add3A_266 = arith.constant 26624 : i32
          %add3A_267 = arith.addi %add3A_266, %mul3A_265 : i32
          %dma_start3A_268 = arith.constant 0 : i32
          %dma_start3A_269 = arith.constant 0 : i32
          %dma_start3A_270 = arith.constant 0 : i32
          %dma_start3A_271 = tpu.memref_slice %arg5[%dma_start3A_268, %dma_start3A_269, %dma_start3A_270] : memref<2x384x128xf32, #tpu.memory_space<vmem>> -> memref<1x384x128xf32, #tpu.memory_space<vmem>>
          %dma_start3A_272 = tpu.memref_squeeze %dma_start3A_271 : memref<1x384x128xf32, #tpu.memory_space<vmem>> -> memref<384x128xf32, #tpu.memory_space<vmem>>
          %dma_start3A_273 = arith.constant 0 : i32
          %dma_start3A_274 = tpu.memref_slice %arg2[%add3A_267, %dma_start3A_273] : memref<100000x128xf32, #tpu.memory_space<hbm>> -> memref<384x128xf32, #tpu.memory_space<hbm>>
          %dma_start3A_275 = arith.constant 0 : i32
          %dma_start3A_276 = arith.constant 0 : i32
          %dma_start3A_277 = tpu.memref_slice %arg5[%dma_start3A_268, %dma_start3A_275, %dma_start3A_276] : memref<2x384x128xf32, #tpu.memory_space<vmem>> -> memref<1x384x128xf32, #tpu.memory_space<vmem>>
          %dma_start3A_278 = tpu.memref_squeeze %dma_start3A_277 : memref<1x384x128xf32, #tpu.memory_space<vmem>> -> memref<384x128xf32, #tpu.memory_space<vmem>>
          %dma_start3A_279 = arith.constant 0 : i32
          %dma_start3A_280 = tpu.memref_slice %arg2[%add3A_267, %dma_start3A_279] : memref<100000x128xf32, #tpu.memory_space<hbm>> -> memref<384x128xf32, #tpu.memory_space<hbm>>
          tpu.enqueue_dma source(%dma_start3A_280 : memref<384x128xf32, #tpu.memory_space<hbm>>) target(%dma_start3A_278 : memref<384x128xf32, #tpu.memory_space<vmem>>) target_semaphore(%arg11 : memref<!tpu.dma_semaphore, #tpu.memory_space<semaphore_mem>>)
        } else {
        }
        %mul3A_210 = arith.constant 3 : i32
        %mul3A_211 = arith.muli %while3A_149, %mul3A_210 : i32
        %add3A_212 = arith.constant 0 : i32
        %add3A_213 = arith.addi %mul3A_211, %add3A_212 : i32
        %dma_start3A_214 = arith.constant 1 : i32
        %dma_start3A_215 = arith.constant 0 : i32
        %dma_start3A_216 = arith.constant 0 : i32
        %dma_start3A_217 = tpu.memref_slice %arg5[%dma_start3A_214, %dma_start3A_215, %dma_start3A_216] : memref<2x384x128xf32, #tpu.memory_space<vmem>> -> memref<1x128x128xf32, #tpu.memory_space<vmem>>
        %dma_start3A_218 = tpu.memref_squeeze %dma_start3A_217 : memref<1x128x128xf32, #tpu.memory_space<vmem>> -> memref<128x128xf32, #tpu.memory_space<vmem>>
        %dma_start3A_219 = arith.constant 0 : i32
        %dma_start3A_220 = tpu.memref_slice %arg6[%add3A_213, %dma_start3A_219] : memref<18x128xi32, #tpu.memory_space<vmem>> -> memref<1x128xi32, #tpu.memory_space<vmem>>
        %dma_start3A_221 = tpu.memref_squeeze %dma_start3A_220 : memref<1x128xi32, #tpu.memory_space<vmem>> -> memref<128xi32, #tpu.memory_space<vmem>>
        %dma_start3A_222 = arith.constant 0 : i32
        %dma_start3A_223 = arith.constant 0 : i32
        %dma_start3A_224 = tpu.memref_slice %arg10[%dma_start3A_222, %dma_start3A_223] : memref<1000x128xf32, #tpu.memory_space<vmem_shared>> -> memref<1000x128xf32, #tpu.memory_space<vmem_shared>>
        tpu.enqueue_indirect_dma source(%dma_start3A_218 : memref<128x128xf32, #tpu.memory_space<vmem>>) target(%dma_start3A_224 : memref<1000x128xf32, #tpu.memory_space<vmem_shared>>) offsets(%dma_start3A_221 : memref<128xi32, #tpu.memory_space<vmem>>) semaphore(%arg14 : memref<!tpu.dma_semaphore, #tpu.memory_space<semaphore_mem>>) {add = true}
        %mul3A_225 = arith.constant 3 : i32
        %mul3A_226 = arith.muli %while3A_149, %mul3A_225 : i32
        %add3A_227 = arith.constant 1 : i32
        %add3A_228 = arith.addi %mul3A_226, %add3A_227 : i32
        %dma_start3A_229 = arith.constant 1 : i32
        %dma_start3A_230 = arith.constant 128 : i32
        %dma_start3A_231 = arith.constant 0 : i32
        %dma_start3A_232 = tpu.memref_slice %arg5[%dma_start3A_229, %dma_start3A_230, %dma_start3A_231] : memref<2x384x128xf32, #tpu.memory_space<vmem>> -> memref<1x128x128xf32, #tpu.memory_space<vmem>>
        %dma_start3A_233 = tpu.memref_squeeze %dma_start3A_232 : memref<1x128x128xf32, #tpu.memory_space<vmem>> -> memref<128x128xf32, #tpu.memory_space<vmem>>
        %dma_start3A_234 = arith.constant 0 : i32
        %dma_start3A_235 = tpu.memref_slice %arg6[%add3A_228, %dma_start3A_234] : memref<18x128xi32, #tpu.memory_space<vmem>> -> memref<1x128xi32, #tpu.memory_space<vmem>>
        %dma_start3A_236 = tpu.memref_squeeze %dma_start3A_235 : memref<1x128xi32, #tpu.memory_space<vmem>> -> memref<128xi32, #tpu.memory_space<vmem>>
        %dma_start3A_237 = arith.constant 0 : i32
        %dma_start3A_238 = arith.constant 0 : i32
        %dma_start3A_239 = tpu.memref_slice %arg10[%dma_start3A_237, %dma_start3A_238] : memref<1000x128xf32, #tpu.memory_space<vmem_shared>> -> memref<1000x128xf32, #tpu.memory_space<vmem_shared>>
        tpu.enqueue_indirect_dma source(%dma_start3A_233 : memref<128x128xf32, #tpu.memory_space<vmem>>) target(%dma_start3A_239 : memref<1000x128xf32, #tpu.memory_space<vmem_shared>>) offsets(%dma_start3A_236 : memref<128xi32, #tpu.memory_space<vmem>>) semaphore(%arg14 : memref<!tpu.dma_semaphore, #tpu.memory_space<semaphore_mem>>) {add = true}
        %mul3A_240 = arith.constant 3 : i32
        %mul3A_241 = arith.muli %while3A_149, %mul3A_240 : i32
        %add3A_242 = arith.constant 2 : i32
        %add3A_243 = arith.addi %mul3A_241, %add3A_242 : i32
        %dma_start3A_244 = arith.constant 1 : i32
        %dma_start3A_245 = arith.constant 256 : i32
        %dma_start3A_246 = arith.constant 0 : i32
        %dma_start3A_247 = tpu.memref_slice %arg5[%dma_start3A_244, %dma_start3A_245, %dma_start3A_246] : memref<2x384x128xf32, #tpu.memory_space<vmem>> -> memref<1x128x128xf32, #tpu.memory_space<vmem>>
        %dma_start3A_248 = tpu.memref_squeeze %dma_start3A_247 : memref<1x128x128xf32, #tpu.memory_space<vmem>> -> memref<128x128xf32, #tpu.memory_space<vmem>>
        %dma_start3A_249 = arith.constant 0 : i32
        %dma_start3A_250 = tpu.memref_slice %arg6[%add3A_243, %dma_start3A_249] : memref<18x128xi32, #tpu.memory_space<vmem>> -> memref<1x128xi32, #tpu.memory_space<vmem>>
        %dma_start3A_251 = tpu.memref_squeeze %dma_start3A_250 : memref<1x128xi32, #tpu.memory_space<vmem>> -> memref<128xi32, #tpu.memory_space<vmem>>
        %dma_start3A_252 = arith.constant 0 : i32
        %dma_start3A_253 = arith.constant 0 : i32
        %dma_start3A_254 = tpu.memref_slice %arg10[%dma_start3A_252, %dma_start3A_253] : memref<1000x128xf32, #tpu.memory_space<vmem_shared>> -> memref<1000x128xf32, #tpu.memory_space<vmem_shared>>
        tpu.enqueue_indirect_dma source(%dma_start3A_248 : memref<128x128xf32, #tpu.memory_space<vmem>>) target(%dma_start3A_254 : memref<1000x128xf32, #tpu.memory_space<vmem_shared>>) offsets(%dma_start3A_251 : memref<128xi32, #tpu.memory_space<vmem>>) semaphore(%arg14 : memref<!tpu.dma_semaphore, #tpu.memory_space<semaphore_mem>>) {add = true}
      } else {
      }
    }
    %while3A_66 = arith.constant 1 : i32
    scf.for %while3A_149 = %while3A_64 to %while3A_60 step %while3A_66  : i32 {
      %jit3A_150 = arith.constant 2 : i32
      %eq3A_151 = arith.constant 0 : i32
      %eq3A_152 = arith.cmpi eq, %jit3A_150, %eq3A_151 : i32
      %jit3A_153 = arith.constant 1 : i32
      %select_n3A_154 = arith.select %eq3A_152, %jit3A_153, %jit3A_150 : i32
      %rem3A = arith.remsi %while3A_149, %select_n3A_154 : i32
      %ne3A = arith.constant 0 : i32
      %ne3A_155 = arith.cmpi ne, %rem3A, %ne3A : i32
      %lt3A_156 = arith.constant 0 : i32
      %lt3A_157 = arith.cmpi slt, %rem3A, %lt3A_156 : i32
      %lt3A_158 = arith.constant 0 : i32
      %lt3A_159 = arith.cmpi slt, %select_n3A_154, %lt3A_158 : i32
      %ne3A_160 = arith.xori %lt3A_157, %lt3A_159 : i1
      %and3A = arith.andi %ne3A_160, %ne3A_155 : i1
      %add3A_161 = arith.addi %rem3A, %select_n3A_154 : i32
      %select_n3A_162 = arith.select %and3A, %add3A_161, %rem3A : i32
      %eq3A_163 = arith.constant 0 : i32
      %eq3A_164 = arith.cmpi eq, %select_n3A_162, %eq3A_163 : i32
      %convert_element_type3A_165 = arith.extui %eq3A_164 : i1 to i32
      %cond3A_166 = arith.constant 0 : i32
      %cond3A_167 = arith.cmpi ne, %convert_element_type3A_165, %cond3A_166 : i32
      scf.if %cond3A_167 {
        %dma_wait3A_189 = arith.constant 0 : i32
        %dma_wait3A_190 = arith.constant 0 : i32
        %dma_wait3A_191 = arith.constant 0 : i32
        %dma_wait3A_192 = tpu.memref_slice %arg5[%dma_wait3A_189, %dma_wait3A_190, %dma_wait3A_191] : memref<2x384x128xf32, #tpu.memory_space<vmem>> -> memref<1x384x128xf32, #tpu.memory_space<vmem>>
        %dma_wait3A_193 = tpu.memref_squeeze %dma_wait3A_192 : memref<1x384x128xf32, #tpu.memory_space<vmem>> -> memref<384x128xf32, #tpu.memory_space<vmem>>
        %dma_wait3A_194 = arith.constant 0 : i32
        %dma_wait3A_195 = arith.constant 0 : i32
        %dma_wait3A_196 = tpu.memref_slice %arg2[%dma_wait3A_194, %dma_wait3A_195] : memref<100000x128xf32, #tpu.memory_space<hbm>> -> memref<384x128xf32, #tpu.memory_space<hbm>>
        %dma_wait3A_197 = arith.constant 0 : i32
        %dma_wait3A_198 = arith.constant 0 : i32
        %dma_wait3A_199 = tpu.memref_slice %arg5[%dma_wait3A_189, %dma_wait3A_197, %dma_wait3A_198] : memref<2x384x128xf32, #tpu.memory_space<vmem>> -> memref<1x384x128xf32, #tpu.memory_space<vmem>>
        %dma_wait3A_200 = tpu.memref_squeeze %dma_wait3A_199 : memref<1x384x128xf32, #tpu.memory_space<vmem>> -> memref<384x128xf32, #tpu.memory_space<vmem>>
        %dma_wait3A_201 = arith.constant 0 : i32
        %dma_wait3A_202 = arith.constant 0 : i32
        %dma_wait3A_203 = tpu.memref_slice %arg2[%dma_wait3A_201, %dma_wait3A_202] : memref<100000x128xf32, #tpu.memory_space<hbm>> -> memref<384x128xf32, #tpu.memory_space<hbm>>
        tpu.wait_dma2 semaphore(%arg11 : memref<!tpu.dma_semaphore, #tpu.memory_space<semaphore_mem>>) src(%dma_wait3A_203 : memref<384x128xf32, #tpu.memory_space<hbm>>) dst(%dma_wait3A_200 : memref<384x128xf32, #tpu.memory_space<vmem>>)
        %add3A_204 = arith.constant 1 : i32
        %add3A_205 = arith.addi %while3A_149, %add3A_204 : i32
        %lt3A_206 = arith.cmpi slt, %add3A_205, %add3A_4 : i32
        %convert_element_type3A_207 = arith.extui %lt3A_206 : i1 to i32
        %cond3A_208 = arith.constant 0 : i32
        %cond3A_209 = arith.cmpi ne, %convert_element_type3A_207, %cond3A_208 : i32
        scf.if %cond3A_209 {
          %ge3A = arith.constant 1 : i32
          %ge3A_255 = arith.cmpi sge, %while3A_149, %ge3A : i32
          %convert_element_type3A_256 = arith.extui %ge3A_255 : i1 to i32
          %cond3A_257 = arith.constant 0 : i32
          %cond3A_258 = arith.cmpi ne, %convert_element_type3A_256, %cond3A_257 : i32
          scf.if %cond3A_258 {
            %dma_wait3A_281 = arith.constant 1 : i32
            %dma_wait3A_282 = arith.constant 0 : i32
            %dma_wait3A_283 = arith.constant 0 : i32
            %dma_wait3A_284 = arith.constant 0 : i32
            %dma_wait3A_285 = tpu.memref_slice %arg5[%dma_wait3A_281, %dma_wait3A_283, %dma_wait3A_284] : memref<2x384x128xf32, #tpu.memory_space<vmem>> -> memref<1x128x128xf32, #tpu.memory_space<vmem>>
            %dma_wait3A_286 = tpu.memref_squeeze %dma_wait3A_285 : memref<1x128x128xf32, #tpu.memory_space<vmem>> -> memref<128x128xf32, #tpu.memory_space<vmem>>
            %dma_wait3A_287 = arith.constant 0 : i32
            %dma_wait3A_288 = tpu.memref_slice %arg6[%dma_wait3A_282, %dma_wait3A_287] : memref<18x128xi32, #tpu.memory_space<vmem>> -> memref<1x128xi32, #tpu.memory_space<vmem>>
            %dma_wait3A_289 = tpu.memref_squeeze %dma_wait3A_288 : memref<1x128xi32, #tpu.memory_space<vmem>> -> memref<128xi32, #tpu.memory_space<vmem>>
            %dma_wait3A_290 = arith.constant 0 : i32
            %dma_wait3A_291 = arith.constant 0 : i32
            %dma_wait3A_292 = tpu.memref_slice %arg10[%dma_wait3A_290, %dma_wait3A_291] : memref<1000x128xf32, #tpu.memory_space<vmem_shared>> -> memref<1000x128xf32, #tpu.memory_space<vmem_shared>>
            tpu.wait_indirect_dma semaphore(%arg14 : memref<!tpu.dma_semaphore, #tpu.memory_space<semaphore_mem>>) src(%dma_wait3A_286 : memref<128x128xf32, #tpu.memory_space<vmem>>) dst(%dma_wait3A_292 : memref<1000x128xf32, #tpu.memory_space<vmem_shared>>)
            %dma_wait3A_293 = arith.constant 1 : i32
            %dma_wait3A_294 = arith.constant 0 : i32
            %dma_wait3A_295 = arith.constant 128 : i32
            %dma_wait3A_296 = arith.constant 0 : i32
            %dma_wait3A_297 = tpu.memref_slice %arg5[%dma_wait3A_293, %dma_wait3A_295, %dma_wait3A_296] : memref<2x384x128xf32, #tpu.memory_space<vmem>> -> memref<1x128x128xf32, #tpu.memory_space<vmem>>
            %dma_wait3A_298 = tpu.memref_squeeze %dma_wait3A_297 : memref<1x128x128xf32, #tpu.memory_space<vmem>> -> memref<128x128xf32, #tpu.memory_space<vmem>>
            %dma_wait3A_299 = arith.constant 0 : i32
            %dma_wait3A_300 = tpu.memref_slice %arg6[%dma_wait3A_294, %dma_wait3A_299] : memref<18x128xi32, #tpu.memory_space<vmem>> -> memref<1x128xi32, #tpu.memory_space<vmem>>
            %dma_wait3A_301 = tpu.memref_squeeze %dma_wait3A_300 : memref<1x128xi32, #tpu.memory_space<vmem>> -> memref<128xi32, #tpu.memory_space<vmem>>
            %dma_wait3A_302 = arith.constant 0 : i32
            %dma_wait3A_303 = arith.constant 0 : i32
            %dma_wait3A_304 = tpu.memref_slice %arg10[%dma_wait3A_302, %dma_wait3A_303] : memref<1000x128xf32, #tpu.memory_space<vmem_shared>> -> memref<1000x128xf32, #tpu.memory_space<vmem_shared>>
            tpu.wait_indirect_dma semaphore(%arg14 : memref<!tpu.dma_semaphore, #tpu.memory_space<semaphore_mem>>) src(%dma_wait3A_298 : memref<128x128xf32, #tpu.memory_space<vmem>>) dst(%dma_wait3A_304 : memref<1000x128xf32, #tpu.memory_space<vmem_shared>>)
            %dma_wait3A_305 = arith.constant 1 : i32
            %dma_wait3A_306 = arith.constant 0 : i32
            %dma_wait3A_307 = arith.constant 256 : i32
            %dma_wait3A_308 = arith.constant 0 : i32
            %dma_wait3A_309 = tpu.memref_slice %arg5[%dma_wait3A_305, %dma_wait3A_307, %dma_wait3A_308] : memref<2x384x128xf32, #tpu.memory_space<vmem>> -> memref<1x128x128xf32, #tpu.memory_space<vmem>>
            %dma_wait3A_310 = tpu.memref_squeeze %dma_wait3A_309 : memref<1x128x128xf32, #tpu.memory_space<vmem>> -> memref<128x128xf32, #tpu.memory_space<vmem>>
            %dma_wait3A_311 = arith.constant 0 : i32
            %dma_wait3A_312 = tpu.memref_slice %arg6[%dma_wait3A_306, %dma_wait3A_311] : memref<18x128xi32, #tpu.memory_space<vmem>> -> memref<1x128xi32, #tpu.memory_space<vmem>>
            %dma_wait3A_313 = tpu.memref_squeeze %dma_wait3A_312 : memref<1x128xi32, #tpu.memory_space<vmem>> -> memref<128xi32, #tpu.memory_space<vmem>>
            %dma_wait3A_314 = arith.constant 0 : i32
            %dma_wait3A_315 = arith.constant 0 : i32
            %dma_wait3A_316 = tpu.memref_slice %arg10[%dma_wait3A_314, %dma_wait3A_315] : memref<1000x128xf32, #tpu.memory_space<vmem_shared>> -> memref<1000x128xf32, #tpu.memory_space<vmem_shared>>
            tpu.wait_indirect_dma semaphore(%arg14 : memref<!tpu.dma_semaphore, #tpu.memory_space<semaphore_mem>>) src(%dma_wait3A_310 : memref<128x128xf32, #tpu.memory_space<vmem>>) dst(%dma_wait3A_316 : memref<1000x128xf32, #tpu.memory_space<vmem_shared>>)
          } else {
          }
          %add3A_259 = arith.constant 1 : i32
          %add3A_260 = arith.addi %while3A_149, %add3A_259 : i32
          %mul3A_261 = arith.constant 32 : i32
          %mul3A_262 = arith.muli %add3A_260, %mul3A_261 : i32
          %add3A_263 = arith.addi %add3A, %mul3A_262 : i32
          %mul3A_264 = arith.constant 384 : i32
          %mul3A_265 = arith.muli %add3A_263, %mul3A_264 : i32
          %add3A_266 = arith.constant 26624 : i32
          %add3A_267 = arith.addi %add3A_266, %mul3A_265 : i32
          %dma_start3A_268 = arith.constant 1 : i32
          %dma_start3A_269 = arith.constant 0 : i32
          %dma_start3A_270 = arith.constant 0 : i32
          %dma_start3A_271 = tpu.memref_slice %arg5[%dma_start3A_268, %dma_start3A_269, %dma_start3A_270] : memref<2x384x128xf32, #tpu.memory_space<vmem>> -> memref<1x384x128xf32, #tpu.memory_space<vmem>>
          %dma_start3A_272 = tpu.memref_squeeze %dma_start3A_271 : memref<1x384x128xf32, #tpu.memory_space<vmem>> -> memref<384x128xf32, #tpu.memory_space<vmem>>
          %dma_start3A_273 = arith.constant 0 : i32
          %dma_start3A_274 = tpu.memref_slice %arg2[%add3A_267, %dma_start3A_273] : memref<100000x128xf32, #tpu.memory_space<hbm>> -> memref<384x128xf32, #tpu.memory_space<hbm>>
          %dma_start3A_275 = arith.constant 0 : i32
          %dma_start3A_276 = arith.constant 0 : i32
          %dma_start3A_277 = tpu.memref_slice %arg5[%dma_start3A_268, %dma_start3A_275, %dma_start3A_276] : memref<2x384x128xf32, #tpu.memory_space<vmem>> -> memref<1x384x128xf32, #tpu.memory_space<vmem>>
          %dma_start3A_278 = tpu.memref_squeeze %dma_start3A_277 : memref<1x384x128xf32, #tpu.memory_space<vmem>> -> memref<384x128xf32, #tpu.memory_space<vmem>>
          %dma_start3A_279 = arith.constant 0 : i32
          %dma_start3A_280 = tpu.memref_slice %arg2[%add3A_267, %dma_start3A_279] : memref<100000x128xf32, #tpu.memory_space<hbm>> -> memref<384x128xf32, #tpu.memory_space<hbm>>
          tpu.enqueue_dma source(%dma_start3A_280 : memref<384x128xf32, #tpu.memory_space<hbm>>) target(%dma_start3A_278 : memref<384x128xf32, #tpu.memory_space<vmem>>) target_semaphore(%arg12 : memref<!tpu.dma_semaphore, #tpu.memory_space<semaphore_mem>>)
        } else {
        }
        %mul3A_210 = arith.constant 3 : i32
        %mul3A_211 = arith.muli %while3A_149, %mul3A_210 : i32
        %add3A_212 = arith.constant 0 : i32
        %add3A_213 = arith.addi %mul3A_211, %add3A_212 : i32
        %dma_start3A_214 = arith.constant 0 : i32
        %dma_start3A_215 = arith.constant 0 : i32
        %dma_start3A_216 = arith.constant 0 : i32
        %dma_start3A_217 = tpu.memref_slice %arg5[%dma_start3A_214, %dma_start3A_215, %dma_start3A_216] : memref<2x384x128xf32, #tpu.memory_space<vmem>> -> memref<1x128x128xf32, #tpu.memory_space<vmem>>
        %dma_start3A_218 = tpu.memref_squeeze %dma_start3A_217 : memref<1x128x128xf32, #tpu.memory_space<vmem>> -> memref<128x128xf32, #tpu.memory_space<vmem>>
        %dma_start3A_219 = arith.constant 0 : i32
        %dma_start3A_220 = tpu.memref_slice %arg6[%add3A_213, %dma_start3A_219] : memref<18x128xi32, #tpu.memory_space<vmem>> -> memref<1x128xi32, #tpu.memory_space<vmem>>
        %dma_start3A_221 = tpu.memref_squeeze %dma_start3A_220 : memref<1x128xi32, #tpu.memory_space<vmem>> -> memref<128xi32, #tpu.memory_space<vmem>>
        %dma_start3A_222 = arith.constant 0 : i32
        %dma_start3A_223 = arith.constant 0 : i32
        %dma_start3A_224 = tpu.memref_slice %arg10[%dma_start3A_222, %dma_start3A_223] : memref<1000x128xf32, #tpu.memory_space<vmem_shared>> -> memref<1000x128xf32, #tpu.memory_space<vmem_shared>>
        tpu.enqueue_indirect_dma source(%dma_start3A_218 : memref<128x128xf32, #tpu.memory_space<vmem>>) target(%dma_start3A_224 : memref<1000x128xf32, #tpu.memory_space<vmem_shared>>) offsets(%dma_start3A_221 : memref<128xi32, #tpu.memory_space<vmem>>) semaphore(%arg13 : memref<!tpu.dma_semaphore, #tpu.memory_space<semaphore_mem>>) {add = true}
        %mul3A_225 = arith.constant 3 : i32
        %mul3A_226 = arith.muli %while3A_149, %mul3A_225 : i32
        %add3A_227 = arith.constant 1 : i32
        %add3A_228 = arith.addi %mul3A_226, %add3A_227 : i32
        %dma_start3A_229 = arith.constant 0 : i32
        %dma_start3A_230 = arith.constant 128 : i32
        %dma_start3A_231 = arith.constant 0 : i32
        %dma_start3A_232 = tpu.memref_slice %arg5[%dma_start3A_229, %dma_start3A_230, %dma_start3A_231] : memref<2x384x128xf32, #tpu.memory_space<vmem>> -> memref<1x128x128xf32, #tpu.memory_space<vmem>>
        %dma_start3A_233 = tpu.memref_squeeze %dma_start3A_232 : memref<1x128x128xf32, #tpu.memory_space<vmem>> -> memref<128x128xf32, #tpu.memory_space<vmem>>
        %dma_start3A_234 = arith.constant 0 : i32
        %dma_start3A_235 = tpu.memref_slice %arg6[%add3A_228, %dma_start3A_234] : memref<18x128xi32, #tpu.memory_space<vmem>> -> memref<1x128xi32, #tpu.memory_space<vmem>>
        %dma_start3A_236 = tpu.memref_squeeze %dma_start3A_235 : memref<1x128xi32, #tpu.memory_space<vmem>> -> memref<128xi32, #tpu.memory_space<vmem>>
        %dma_start3A_237 = arith.constant 0 : i32
        %dma_start3A_238 = arith.constant 0 : i32
        %dma_start3A_239 = tpu.memref_slice %arg10[%dma_start3A_237, %dma_start3A_238] : memref<1000x128xf32, #tpu.memory_space<vmem_shared>> -> memref<1000x128xf32, #tpu.memory_space<vmem_shared>>
        tpu.enqueue_indirect_dma source(%dma_start3A_233 : memref<128x128xf32, #tpu.memory_space<vmem>>) target(%dma_start3A_239 : memref<1000x128xf32, #tpu.memory_space<vmem_shared>>) offsets(%dma_start3A_236 : memref<128xi32, #tpu.memory_space<vmem>>) semaphore(%arg13 : memref<!tpu.dma_semaphore, #tpu.memory_space<semaphore_mem>>) {add = true}
        %mul3A_240 = arith.constant 3 : i32
        %mul3A_241 = arith.muli %while3A_149, %mul3A_240 : i32
        %add3A_242 = arith.constant 2 : i32
        %add3A_243 = arith.addi %mul3A_241, %add3A_242 : i32
        %dma_start3A_244 = arith.constant 0 : i32
        %dma_start3A_245 = arith.constant 256 : i32
        %dma_start3A_246 = arith.constant 0 : i32
        %dma_start3A_247 = tpu.memref_slice %arg5[%dma_start3A_244, %dma_start3A_245, %dma_start3A_246] : memref<2x384x128xf32, #tpu.memory_space<vmem>> -> memref<1x128x128xf32, #tpu.memory_space<vmem>>
        %dma_start3A_248 = tpu.memref_squeeze %dma_start3A_247 : memref<1x128x128xf32, #tpu.memory_space<vmem>> -> memref<128x128xf32, #tpu.memory_space<vmem>>
        %dma_start3A_249 = arith.constant 0 : i32
        %dma_start3A_250 = tpu.memref_slice %arg6[%add3A_243, %dma_start3A_249] : memref<18x128xi32, #tpu.memory_space<vmem>> -> memref<1x128xi32, #tpu.memory_space<vmem>>
        %dma_start3A_251 = tpu.memref_squeeze %dma_start3A_250 : memref<1x128xi32, #tpu.memory_space<vmem>> -> memref<128xi32, #tpu.memory_space<vmem>>
        %dma_start3A_252 = arith.constant 0 : i32
        %dma_start3A_253 = arith.constant 0 : i32
        %dma_start3A_254 = tpu.memref_slice %arg10[%dma_start3A_252, %dma_start3A_253] : memref<1000x128xf32, #tpu.memory_space<vmem_shared>> -> memref<1000x128xf32, #tpu.memory_space<vmem_shared>>
        tpu.enqueue_indirect_dma source(%dma_start3A_248 : memref<128x128xf32, #tpu.memory_space<vmem>>) target(%dma_start3A_254 : memref<1000x128xf32, #tpu.memory_space<vmem_shared>>) offsets(%dma_start3A_251 : memref<128xi32, #tpu.memory_space<vmem>>) semaphore(%arg13 : memref<!tpu.dma_semaphore, #tpu.memory_space<semaphore_mem>>) {add = true}
      } else {
      }
      %jit3A_168 = arith.constant 2 : i32
      %eq3A_169 = arith.constant 0 : i32
      %eq3A_170 = arith.cmpi eq, %jit3A_168, %eq3A_169 : i32
      %jit3A_171 = arith.constant 1 : i32
      %select_n3A_172 = arith.select %eq3A_170, %jit3A_171, %jit3A_168 : i32
      %rem3A_173 = arith.remsi %while3A_149, %select_n3A_172 : i32
      %ne3A_174 = arith.constant 0 : i32
      %ne3A_175 = arith.cmpi ne, %rem3A_173, %ne3A_174 : i32
      %lt3A_176 = arith.constant 0 : i32
      %lt3A_177 = arith.cmpi slt, %rem3A_173, %lt3A_176 : i32
      %lt3A_178 = arith.constant 0 : i32
      %lt3A_179 = arith.cmpi slt, %select_n3A_172, %lt3A_178 : i32
      %ne3A_180 = arith.xori %lt3A_177, %lt3A_179 : i1
      %and3A_181 = arith.andi %ne3A_180, %ne3A_175 : i1
      %add3A_182 = arith.addi %rem3A_173, %select_n3A_172 : i32
      %select_n3A_183 = arith.select %and3A_181, %add3A_182, %rem3A_173 : i32
      %eq3A_184 = arith.constant 1 : i32
      %eq3A_185 = arith.cmpi eq, %select_n3A_183, %eq3A_184 : i32
      %convert_element_type3A_186 = arith.extui %eq3A_185 : i1 to i32
      %cond3A_187 = arith.constant 0 : i32
      %cond3A_188 = arith.cmpi ne, %convert_element_type3A_186, %cond3A_187 : i32
      scf.if %cond3A_188 {
        %dma_wait3A_189 = arith.constant 1 : i32
        %dma_wait3A_190 = arith.constant 0 : i32
        %dma_wait3A_191 = arith.constant 0 : i32
        %dma_wait3A_192 = tpu.memref_slice %arg5[%dma_wait3A_189, %dma_wait3A_190, %dma_wait3A_191] : memref<2x384x128xf32, #tpu.memory_space<vmem>> -> memref<1x384x128xf32, #tpu.memory_space<vmem>>
        %dma_wait3A_193 = tpu.memref_squeeze %dma_wait3A_192 : memref<1x384x128xf32, #tpu.memory_space<vmem>> -> memref<384x128xf32, #tpu.memory_space<vmem>>
        %dma_wait3A_194 = arith.constant 0 : i32
        %dma_wait3A_195 = arith.constant 0 : i32
        %dma_wait3A_196 = tpu.memref_slice %arg2[%dma_wait3A_194, %dma_wait3A_195] : memref<100000x128xf32, #tpu.memory_space<hbm>> -> memref<384x128xf32, #tpu.memory_space<hbm>>
        %dma_wait3A_197 = arith.constant 0 : i32
        %dma_wait3A_198 = arith.constant 0 : i32
        %dma_wait3A_199 = tpu.memref_slice %arg5[%dma_wait3A_189, %dma_wait3A_197, %dma_wait3A_198] : memref<2x384x128xf32, #tpu.memory_space<vmem>> -> memref<1x384x128xf32, #tpu.memory_space<vmem>>
        %dma_wait3A_200 = tpu.memref_squeeze %dma_wait3A_199 : memref<1x384x128xf32, #tpu.memory_space<vmem>> -> memref<384x128xf32, #tpu.memory_space<vmem>>
        %dma_wait3A_201 = arith.constant 0 : i32
        %dma_wait3A_202 = arith.constant 0 : i32
        %dma_wait3A_203 = tpu.memref_slice %arg2[%dma_wait3A_201, %dma_wait3A_202] : memref<100000x128xf32, #tpu.memory_space<hbm>> -> memref<384x128xf32, #tpu.memory_space<hbm>>
        tpu.wait_dma2 semaphore(%arg12 : memref<!tpu.dma_semaphore, #tpu.memory_space<semaphore_mem>>) src(%dma_wait3A_203 : memref<384x128xf32, #tpu.memory_space<hbm>>) dst(%dma_wait3A_200 : memref<384x128xf32, #tpu.memory_space<vmem>>)
        %add3A_204 = arith.constant 1 : i32
        %add3A_205 = arith.addi %while3A_149, %add3A_204 : i32
        %lt3A_206 = arith.cmpi slt, %add3A_205, %add3A_4 : i32
        %convert_element_type3A_207 = arith.extui %lt3A_206 : i1 to i32
        %cond3A_208 = arith.constant 0 : i32
        %cond3A_209 = arith.cmpi ne, %convert_element_type3A_207, %cond3A_208 : i32
        scf.if %cond3A_209 {
          %ge3A = arith.constant 1 : i32
          %ge3A_255 = arith.cmpi sge, %while3A_149, %ge3A : i32
          %convert_element_type3A_256 = arith.extui %ge3A_255 : i1 to i32
          %cond3A_257 = arith.constant 0 : i32
          %cond3A_258 = arith.cmpi ne, %convert_element_type3A_256, %cond3A_257 : i32
          scf.if %cond3A_258 {
            %dma_wait3A_281 = arith.constant 0 : i32
            %dma_wait3A_282 = arith.constant 0 : i32
            %dma_wait3A_283 = arith.constant 0 : i32
            %dma_wait3A_284 = arith.constant 0 : i32
            %dma_wait3A_285 = tpu.memref_slice %arg5[%dma_wait3A_281, %dma_wait3A_283, %dma_wait3A_284] : memref<2x384x128xf32, #tpu.memory_space<vmem>> -> memref<1x128x128xf32, #tpu.memory_space<vmem>>
            %dma_wait3A_286 = tpu.memref_squeeze %dma_wait3A_285 : memref<1x128x128xf32, #tpu.memory_space<vmem>> -> memref<128x128xf32, #tpu.memory_space<vmem>>
            %dma_wait3A_287 = arith.constant 0 : i32
            %dma_wait3A_288 = tpu.memref_slice %arg6[%dma_wait3A_282, %dma_wait3A_287] : memref<18x128xi32, #tpu.memory_space<vmem>> -> memref<1x128xi32, #tpu.memory_space<vmem>>
            %dma_wait3A_289 = tpu.memref_squeeze %dma_wait3A_288 : memref<1x128xi32, #tpu.memory_space<vmem>> -> memref<128xi32, #tpu.memory_space<vmem>>
            %dma_wait3A_290 = arith.constant 0 : i32
            %dma_wait3A_291 = arith.constant 0 : i32
            %dma_wait3A_292 = tpu.memref_slice %arg10[%dma_wait3A_290, %dma_wait3A_291] : memref<1000x128xf32, #tpu.memory_space<vmem_shared>> -> memref<1000x128xf32, #tpu.memory_space<vmem_shared>>
            tpu.wait_indirect_dma semaphore(%arg13 : memref<!tpu.dma_semaphore, #tpu.memory_space<semaphore_mem>>) src(%dma_wait3A_286 : memref<128x128xf32, #tpu.memory_space<vmem>>) dst(%dma_wait3A_292 : memref<1000x128xf32, #tpu.memory_space<vmem_shared>>)
            %dma_wait3A_293 = arith.constant 0 : i32
            %dma_wait3A_294 = arith.constant 0 : i32
            %dma_wait3A_295 = arith.constant 128 : i32
            %dma_wait3A_296 = arith.constant 0 : i32
            %dma_wait3A_297 = tpu.memref_slice %arg5[%dma_wait3A_293, %dma_wait3A_295, %dma_wait3A_296] : memref<2x384x128xf32, #tpu.memory_space<vmem>> -> memref<1x128x128xf32, #tpu.memory_space<vmem>>
            %dma_wait3A_298 = tpu.memref_squeeze %dma_wait3A_297 : memref<1x128x128xf32, #tpu.memory_space<vmem>> -> memref<128x128xf32, #tpu.memory_space<vmem>>
            %dma_wait3A_299 = arith.constant 0 : i32
            %dma_wait3A_300 = tpu.memref_slice %arg6[%dma_wait3A_294, %dma_wait3A_299] : memref<18x128xi32, #tpu.memory_space<vmem>> -> memref<1x128xi32, #tpu.memory_space<vmem>>
            %dma_wait3A_301 = tpu.memref_squeeze %dma_wait3A_300 : memref<1x128xi32, #tpu.memory_space<vmem>> -> memref<128xi32, #tpu.memory_space<vmem>>
            %dma_wait3A_302 = arith.constant 0 : i32
            %dma_wait3A_303 = arith.constant 0 : i32
            %dma_wait3A_304 = tpu.memref_slice %arg10[%dma_wait3A_302, %dma_wait3A_303] : memref<1000x128xf32, #tpu.memory_space<vmem_shared>> -> memref<1000x128xf32, #tpu.memory_space<vmem_shared>>
            tpu.wait_indirect_dma semaphore(%arg13 : memref<!tpu.dma_semaphore, #tpu.memory_space<semaphore_mem>>) src(%dma_wait3A_298 : memref<128x128xf32, #tpu.memory_space<vmem>>) dst(%dma_wait3A_304 : memref<1000x128xf32, #tpu.memory_space<vmem_shared>>)
            %dma_wait3A_305 = arith.constant 0 : i32
            %dma_wait3A_306 = arith.constant 0 : i32
            %dma_wait3A_307 = arith.constant 256 : i32
            %dma_wait3A_308 = arith.constant 0 : i32
            %dma_wait3A_309 = tpu.memref_slice %arg5[%dma_wait3A_305, %dma_wait3A_307, %dma_wait3A_308] : memref<2x384x128xf32, #tpu.memory_space<vmem>> -> memref<1x128x128xf32, #tpu.memory_space<vmem>>
            %dma_wait3A_310 = tpu.memref_squeeze %dma_wait3A_309 : memref<1x128x128xf32, #tpu.memory_space<vmem>> -> memref<128x128xf32, #tpu.memory_space<vmem>>
            %dma_wait3A_311 = arith.constant 0 : i32
            %dma_wait3A_312 = tpu.memref_slice %arg6[%dma_wait3A_306, %dma_wait3A_311] : memref<18x128xi32, #tpu.memory_space<vmem>> -> memref<1x128xi32, #tpu.memory_space<vmem>>
            %dma_wait3A_313 = tpu.memref_squeeze %dma_wait3A_312 : memref<1x128xi32, #tpu.memory_space<vmem>> -> memref<128xi32, #tpu.memory_space<vmem>>
            %dma_wait3A_314 = arith.constant 0 : i32
            %dma_wait3A_315 = arith.constant 0 : i32
            %dma_wait3A_316 = tpu.memref_slice %arg10[%dma_wait3A_314, %dma_wait3A_315] : memref<1000x128xf32, #tpu.memory_space<vmem_shared>> -> memref<1000x128xf32, #tpu.memory_space<vmem_shared>>
            tpu.wait_indirect_dma semaphore(%arg13 : memref<!tpu.dma_semaphore, #tpu.memory_space<semaphore_mem>>) src(%dma_wait3A_310 : memref<128x128xf32, #tpu.memory_space<vmem>>) dst(%dma_wait3A_316 : memref<1000x128xf32, #tpu.memory_space<vmem_shared>>)
          } else {
          }
          %add3A_259 = arith.constant 1 : i32
          %add3A_260 = arith.addi %while3A_149, %add3A_259 : i32
          %mul3A_261 = arith.constant 32 : i32
          %mul3A_262 = arith.muli %add3A_260, %mul3A_261 : i32
          %add3A_263 = arith.addi %add3A, %mul3A_262 : i32
          %mul3A_264 = arith.constant 384 : i32
          %mul3A_265 = arith.muli %add3A_263, %mul3A_264 : i32
          %add3A_266 = arith.constant 26624 : i32
          %add3A_267 = arith.addi %add3A_266, %mul3A_265 : i32
          %dma_start3A_268 = arith.constant 0 : i32
          %dma_start3A_269 = arith.constant 0 : i32
          %dma_start3A_270 = arith.constant 0 : i32
          %dma_start3A_271 = tpu.memref_slice %arg5[%dma_start3A_268, %dma_start3A_269, %dma_start3A_270] : memref<2x384x128xf32, #tpu.memory_space<vmem>> -> memref<1x384x128xf32, #tpu.memory_space<vmem>>
          %dma_start3A_272 = tpu.memref_squeeze %dma_start3A_271 : memref<1x384x128xf32, #tpu.memory_space<vmem>> -> memref<384x128xf32, #tpu.memory_space<vmem>>
          %dma_start3A_273 = arith.constant 0 : i32
          %dma_start3A_274 = tpu.memref_slice %arg2[%add3A_267, %dma_start3A_273] : memref<100000x128xf32, #tpu.memory_space<hbm>> -> memref<384x128xf32, #tpu.memory_space<hbm>>
          %dma_start3A_275 = arith.constant 0 : i32
          %dma_start3A_276 = arith.constant 0 : i32
          %dma_start3A_277 = tpu.memref_slice %arg5[%dma_start3A_268, %dma_start3A_275, %dma_start3A_276] : memref<2x384x128xf32, #tpu.memory_space<vmem>> -> memref<1x384x128xf32, #tpu.memory_space<vmem>>
          %dma_start3A_278 = tpu.memref_squeeze %dma_start3A_277 : memref<1x384x128xf32, #tpu.memory_space<vmem>> -> memref<384x128xf32, #tpu.memory_space<vmem>>
          %dma_start3A_279 = arith.constant 0 : i32
          %dma_start3A_280 = tpu.memref_slice %arg2[%add3A_267, %dma_start3A_279] : memref<100000x128xf32, #tpu.memory_space<hbm>> -> memref<384x128xf32, #tpu.memory_space<hbm>>
          tpu.enqueue_dma source(%dma_start3A_280 : memref<384x128xf32, #tpu.memory_space<hbm>>) target(%dma_start3A_278 : memref<384x128xf32, #tpu.memory_space<vmem>>) target_semaphore(%arg11 : memref<!tpu.dma_semaphore, #tpu.memory_space<semaphore_mem>>)
        } else {
        }
        %mul3A_210 = arith.constant 3 : i32
        %mul3A_211 = arith.muli %while3A_149, %mul3A_210 : i32
        %add3A_212 = arith.constant 0 : i32
        %add3A_213 = arith.addi %mul3A_211, %add3A_212 : i32
        %dma_start3A_214 = arith.constant 1 : i32
        %dma_start3A_215 = arith.constant 0 : i32
        %dma_start3A_216 = arith.constant 0 : i32
        %dma_start3A_217 = tpu.memref_slice %arg5[%dma_start3A_214, %dma_start3A_215, %dma_start3A_216] : memref<2x384x128xf32, #tpu.memory_space<vmem>> -> memref<1x128x128xf32, #tpu.memory_space<vmem>>
        %dma_start3A_218 = tpu.memref_squeeze %dma_start3A_217 : memref<1x128x128xf32, #tpu.memory_space<vmem>> -> memref<128x128xf32, #tpu.memory_space<vmem>>
        %dma_start3A_219 = arith.constant 0 : i32
        %dma_start3A_220 = tpu.memref_slice %arg6[%add3A_213, %dma_start3A_219] : memref<18x128xi32, #tpu.memory_space<vmem>> -> memref<1x128xi32, #tpu.memory_space<vmem>>
        %dma_start3A_221 = tpu.memref_squeeze %dma_start3A_220 : memref<1x128xi32, #tpu.memory_space<vmem>> -> memref<128xi32, #tpu.memory_space<vmem>>
        %dma_start3A_222 = arith.constant 0 : i32
        %dma_start3A_223 = arith.constant 0 : i32
        %dma_start3A_224 = tpu.memref_slice %arg10[%dma_start3A_222, %dma_start3A_223] : memref<1000x128xf32, #tpu.memory_space<vmem_shared>> -> memref<1000x128xf32, #tpu.memory_space<vmem_shared>>
        tpu.enqueue_indirect_dma source(%dma_start3A_218 : memref<128x128xf32, #tpu.memory_space<vmem>>) target(%dma_start3A_224 : memref<1000x128xf32, #tpu.memory_space<vmem_shared>>) offsets(%dma_start3A_221 : memref<128xi32, #tpu.memory_space<vmem>>) semaphore(%arg14 : memref<!tpu.dma_semaphore, #tpu.memory_space<semaphore_mem>>) {add = true}
        %mul3A_225 = arith.constant 3 : i32
        %mul3A_226 = arith.muli %while3A_149, %mul3A_225 : i32
        %add3A_227 = arith.constant 1 : i32
        %add3A_228 = arith.addi %mul3A_226, %add3A_227 : i32
        %dma_start3A_229 = arith.constant 1 : i32
        %dma_start3A_230 = arith.constant 128 : i32
        %dma_start3A_231 = arith.constant 0 : i32
        %dma_start3A_232 = tpu.memref_slice %arg5[%dma_start3A_229, %dma_start3A_230, %dma_start3A_231] : memref<2x384x128xf32, #tpu.memory_space<vmem>> -> memref<1x128x128xf32, #tpu.memory_space<vmem>>
        %dma_start3A_233 = tpu.memref_squeeze %dma_start3A_232 : memref<1x128x128xf32, #tpu.memory_space<vmem>> -> memref<128x128xf32, #tpu.memory_space<vmem>>
        %dma_start3A_234 = arith.constant 0 : i32
        %dma_start3A_235 = tpu.memref_slice %arg6[%add3A_228, %dma_start3A_234] : memref<18x128xi32, #tpu.memory_space<vmem>> -> memref<1x128xi32, #tpu.memory_space<vmem>>
        %dma_start3A_236 = tpu.memref_squeeze %dma_start3A_235 : memref<1x128xi32, #tpu.memory_space<vmem>> -> memref<128xi32, #tpu.memory_space<vmem>>
        %dma_start3A_237 = arith.constant 0 : i32
        %dma_start3A_238 = arith.constant 0 : i32
        %dma_start3A_239 = tpu.memref_slice %arg10[%dma_start3A_237, %dma_start3A_238] : memref<1000x128xf32, #tpu.memory_space<vmem_shared>> -> memref<1000x128xf32, #tpu.memory_space<vmem_shared>>
        tpu.enqueue_indirect_dma source(%dma_start3A_233 : memref<128x128xf32, #tpu.memory_space<vmem>>) target(%dma_start3A_239 : memref<1000x128xf32, #tpu.memory_space<vmem_shared>>) offsets(%dma_start3A_236 : memref<128xi32, #tpu.memory_space<vmem>>) semaphore(%arg14 : memref<!tpu.dma_semaphore, #tpu.memory_space<semaphore_mem>>) {add = true}
        %mul3A_240 = arith.constant 3 : i32
        %mul3A_241 = arith.muli %while3A_149, %mul3A_240 : i32
        %add3A_242 = arith.constant 2 : i32
        %add3A_243 = arith.addi %mul3A_241, %add3A_242 : i32
        %dma_start3A_244 = arith.constant 1 : i32
        %dma_start3A_245 = arith.constant 256 : i32
        %dma_start3A_246 = arith.constant 0 : i32
        %dma_start3A_247 = tpu.memref_slice %arg5[%dma_start3A_244, %dma_start3A_245, %dma_start3A_246] : memref<2x384x128xf32, #tpu.memory_space<vmem>> -> memref<1x128x128xf32, #tpu.memory_space<vmem>>
        %dma_start3A_248 = tpu.memref_squeeze %dma_start3A_247 : memref<1x128x128xf32, #tpu.memory_space<vmem>> -> memref<128x128xf32, #tpu.memory_space<vmem>>
        %dma_start3A_249 = arith.constant 0 : i32
        %dma_start3A_250 = tpu.memref_slice %arg6[%add3A_243, %dma_start3A_249] : memref<18x128xi32, #tpu.memory_space<vmem>> -> memref<1x128xi32, #tpu.memory_space<vmem>>
        %dma_start3A_251 = tpu.memref_squeeze %dma_start3A_250 : memref<1x128xi32, #tpu.memory_space<vmem>> -> memref<128xi32, #tpu.memory_space<vmem>>
        %dma_start3A_252 = arith.constant 0 : i32
        %dma_start3A_253 = arith.constant 0 : i32
        %dma_start3A_254 = tpu.memref_slice %arg10[%dma_start3A_252, %dma_start3A_253] : memref<1000x128xf32, #tpu.memory_space<vmem_shared>> -> memref<1000x128xf32, #tpu.memory_space<vmem_shared>>
        tpu.enqueue_indirect_dma source(%dma_start3A_248 : memref<128x128xf32, #tpu.memory_space<vmem>>) target(%dma_start3A_254 : memref<1000x128xf32, #tpu.memory_space<vmem_shared>>) offsets(%dma_start3A_251 : memref<128xi32, #tpu.memory_space<vmem>>) semaphore(%arg14 : memref<!tpu.dma_semaphore, #tpu.memory_space<semaphore_mem>>) {add = true}
      } else {
      }
    }
    %dma_wait3A = arith.constant 0 : i32
    %dma_wait3A_67 = arith.constant 0 : i32
    %dma_wait3A_68 = arith.constant 0 : i32
    %dma_wait3A_69 = arith.constant 0 : i32
    %dma_wait3A_70 = tpu.memref_slice %arg5[%dma_wait3A, %dma_wait3A_68, %dma_wait3A_69] : memref<2x384x128xf32, #tpu.memory_space<vmem>> -> memref<1x128x128xf32, #tpu.memory_space<vmem>>
    %dma_wait3A_71 = tpu.memref_squeeze %dma_wait3A_70 : memref<1x128x128xf32, #tpu.memory_space<vmem>> -> memref<128x128xf32, #tpu.memory_space<vmem>>
    %dma_wait3A_72 = arith.constant 0 : i32
    %dma_wait3A_73 = tpu.memref_slice %arg6[%dma_wait3A_67, %dma_wait3A_72] : memref<18x128xi32, #tpu.memory_space<vmem>> -> memref<1x128xi32, #tpu.memory_space<vmem>>
    %dma_wait3A_74 = tpu.memref_squeeze %dma_wait3A_73 : memref<1x128xi32, #tpu.memory_space<vmem>> -> memref<128xi32, #tpu.memory_space<vmem>>
    %dma_wait3A_75 = arith.constant 0 : i32
    %dma_wait3A_76 = arith.constant 0 : i32
    %dma_wait3A_77 = tpu.memref_slice %arg10[%dma_wait3A_75, %dma_wait3A_76] : memref<1000x128xf32, #tpu.memory_space<vmem_shared>> -> memref<1000x128xf32, #tpu.memory_space<vmem_shared>>
    tpu.wait_indirect_dma semaphore(%arg13 : memref<!tpu.dma_semaphore, #tpu.memory_space<semaphore_mem>>) src(%dma_wait3A_71 : memref<128x128xf32, #tpu.memory_space<vmem>>) dst(%dma_wait3A_77 : memref<1000x128xf32, #tpu.memory_space<vmem_shared>>)
    %dma_wait3A_78 = arith.constant 0 : i32
    %dma_wait3A_79 = arith.constant 0 : i32
    %dma_wait3A_80 = arith.constant 128 : i32
    %dma_wait3A_81 = arith.constant 0 : i32
    %dma_wait3A_82 = tpu.memref_slice %arg5[%dma_wait3A_78, %dma_wait3A_80, %dma_wait3A_81] : memref<2x384x128xf32, #tpu.memory_space<vmem>> -> memref<1x128x128xf32, #tpu.memory_space<vmem>>
    %dma_wait3A_83 = tpu.memref_squeeze %dma_wait3A_82 : memref<1x128x128xf32, #tpu.memory_space<vmem>> -> memref<128x128xf32, #tpu.memory_space<vmem>>
    %dma_wait3A_84 = arith.constant 0 : i32
    %dma_wait3A_85 = tpu.memref_slice %arg6[%dma_wait3A_79, %dma_wait3A_84] : memref<18x128xi32, #tpu.memory_space<vmem>> -> memref<1x128xi32, #tpu.memory_space<vmem>>
    %dma_wait3A_86 = tpu.memref_squeeze %dma_wait3A_85 : memref<1x128xi32, #tpu.memory_space<vmem>> -> memref<128xi32, #tpu.memory_space<vmem>>
    %dma_wait3A_87 = arith.constant 0 : i32
    %dma_wait3A_88 = arith.constant 0 : i32
    %dma_wait3A_89 = tpu.memref_slice %arg10[%dma_wait3A_87, %dma_wait3A_88] : memref<1000x128xf32, #tpu.memory_space<vmem_shared>> -> memref<1000x128xf32, #tpu.memory_space<vmem_shared>>
    tpu.wait_indirect_dma semaphore(%arg13 : memref<!tpu.dma_semaphore, #tpu.memory_space<semaphore_mem>>) src(%dma_wait3A_83 : memref<128x128xf32, #tpu.memory_space<vmem>>) dst(%dma_wait3A_89 : memref<1000x128xf32, #tpu.memory_space<vmem_shared>>)
    %dma_wait3A_90 = arith.constant 0 : i32
    %dma_wait3A_91 = arith.constant 0 : i32
    %dma_wait3A_92 = arith.constant 256 : i32
    %dma_wait3A_93 = arith.constant 0 : i32
    %dma_wait3A_94 = tpu.memref_slice %arg5[%dma_wait3A_90, %dma_wait3A_92, %dma_wait3A_93] : memref<2x384x128xf32, #tpu.memory_space<vmem>> -> memref<1x128x128xf32, #tpu.memory_space<vmem>>
    %dma_wait3A_95 = tpu.memref_squeeze %dma_wait3A_94 : memref<1x128x128xf32, #tpu.memory_space<vmem>> -> memref<128x128xf32, #tpu.memory_space<vmem>>
    %dma_wait3A_96 = arith.constant 0 : i32
    %dma_wait3A_97 = tpu.memref_slice %arg6[%dma_wait3A_91, %dma_wait3A_96] : memref<18x128xi32, #tpu.memory_space<vmem>> -> memref<1x128xi32, #tpu.memory_space<vmem>>
    %dma_wait3A_98 = tpu.memref_squeeze %dma_wait3A_97 : memref<1x128xi32, #tpu.memory_space<vmem>> -> memref<128xi32, #tpu.memory_space<vmem>>
    %dma_wait3A_99 = arith.constant 0 : i32
    %dma_wait3A_100 = arith.constant 0 : i32
    %dma_wait3A_101 = tpu.memref_slice %arg10[%dma_wait3A_99, %dma_wait3A_100] : memref<1000x128xf32, #tpu.memory_space<vmem_shared>> -> memref<1000x128xf32, #tpu.memory_space<vmem_shared>>
    tpu.wait_indirect_dma semaphore(%arg13 : memref<!tpu.dma_semaphore, #tpu.memory_space<semaphore_mem>>) src(%dma_wait3A_95 : memref<128x128xf32, #tpu.memory_space<vmem>>) dst(%dma_wait3A_101 : memref<1000x128xf32, #tpu.memory_space<vmem_shared>>)
    %dma_wait3A_102 = arith.constant 1 : i32
    %dma_wait3A_103 = arith.constant 0 : i32
    %dma_wait3A_104 = arith.constant 0 : i32
    %dma_wait3A_105 = arith.constant 0 : i32
    %dma_wait3A_106 = tpu.memref_slice %arg5[%dma_wait3A_102, %dma_wait3A_104, %dma_wait3A_105] : memref<2x384x128xf32, #tpu.memory_space<vmem>> -> memref<1x128x128xf32, #tpu.memory_space<vmem>>
    %dma_wait3A_107 = tpu.memref_squeeze %dma_wait3A_106 : memref<1x128x128xf32, #tpu.memory_space<vmem>> -> memref<128x128xf32, #tpu.memory_space<vmem>>
    %dma_wait3A_108 = arith.constant 0 : i32
    %dma_wait3A_109 = tpu.memref_slice %arg6[%dma_wait3A_103, %dma_wait3A_108] : memref<18x128xi32, #tpu.memory_space<vmem>> -> memref<1x128xi32, #tpu.memory_space<vmem>>
    %dma_wait3A_110 = tpu.memref_squeeze %dma_wait3A_109 : memref<1x128xi32, #tpu.memory_space<vmem>> -> memref<128xi32, #tpu.memory_space<vmem>>
    %dma_wait3A_111 = arith.constant 0 : i32
    %dma_wait3A_112 = arith.constant 0 : i32
    %dma_wait3A_113 = tpu.memref_slice %arg10[%dma_wait3A_111, %dma_wait3A_112] : memref<1000x128xf32, #tpu.memory_space<vmem_shared>> -> memref<1000x128xf32, #tpu.memory_space<vmem_shared>>
    tpu.wait_indirect_dma semaphore(%arg14 : memref<!tpu.dma_semaphore, #tpu.memory_space<semaphore_mem>>) src(%dma_wait3A_107 : memref<128x128xf32, #tpu.memory_space<vmem>>) dst(%dma_wait3A_113 : memref<1000x128xf32, #tpu.memory_space<vmem_shared>>)
    %dma_wait3A_114 = arith.constant 1 : i32
    %dma_wait3A_115 = arith.constant 0 : i32
    %dma_wait3A_116 = arith.constant 128 : i32
    %dma_wait3A_117 = arith.constant 0 : i32
    %dma_wait3A_118 = tpu.memref_slice %arg5[%dma_wait3A_114, %dma_wait3A_116, %dma_wait3A_117] : memref<2x384x128xf32, #tpu.memory_space<vmem>> -> memref<1x128x128xf32, #tpu.memory_space<vmem>>
    %dma_wait3A_119 = tpu.memref_squeeze %dma_wait3A_118 : memref<1x128x128xf32, #tpu.memory_space<vmem>> -> memref<128x128xf32, #tpu.memory_space<vmem>>
    %dma_wait3A_120 = arith.constant 0 : i32
    %dma_wait3A_121 = tpu.memref_slice %arg6[%dma_wait3A_115, %dma_wait3A_120] : memref<18x128xi32, #tpu.memory_space<vmem>> -> memref<1x128xi32, #tpu.memory_space<vmem>>
    %dma_wait3A_122 = tpu.memref_squeeze %dma_wait3A_121 : memref<1x128xi32, #tpu.memory_space<vmem>> -> memref<128xi32, #tpu.memory_space<vmem>>
    %dma_wait3A_123 = arith.constant 0 : i32
    %dma_wait3A_124 = arith.constant 0 : i32
    %dma_wait3A_125 = tpu.memref_slice %arg10[%dma_wait3A_123, %dma_wait3A_124] : memref<1000x128xf32, #tpu.memory_space<vmem_shared>> -> memref<1000x128xf32, #tpu.memory_space<vmem_shared>>
    tpu.wait_indirect_dma semaphore(%arg14 : memref<!tpu.dma_semaphore, #tpu.memory_space<semaphore_mem>>) src(%dma_wait3A_119 : memref<128x128xf32, #tpu.memory_space<vmem>>) dst(%dma_wait3A_125 : memref<1000x128xf32, #tpu.memory_space<vmem_shared>>)
    %dma_wait3A_126 = arith.constant 1 : i32
    %dma_wait3A_127 = arith.constant 0 : i32
    %dma_wait3A_128 = arith.constant 256 : i32
    %dma_wait3A_129 = arith.constant 0 : i32
    %dma_wait3A_130 = tpu.memref_slice %arg5[%dma_wait3A_126, %dma_wait3A_128, %dma_wait3A_129] : memref<2x384x128xf32, #tpu.memory_space<vmem>> -> memref<1x128x128xf32, #tpu.memory_space<vmem>>
    %dma_wait3A_131 = tpu.memref_squeeze %dma_wait3A_130 : memref<1x128x128xf32, #tpu.memory_space<vmem>> -> memref<128x128xf32, #tpu.memory_space<vmem>>
    %dma_wait3A_132 = arith.constant 0 : i32
    %dma_wait3A_133 = tpu.memref_slice %arg6[%dma_wait3A_127, %dma_wait3A_132] : memref<18x128xi32, #tpu.memory_space<vmem>> -> memref<1x128xi32, #tpu.memory_space<vmem>>
    %dma_wait3A_134 = tpu.memref_squeeze %dma_wait3A_133 : memref<1x128xi32, #tpu.memory_space<vmem>> -> memref<128xi32, #tpu.memory_space<vmem>>
    %dma_wait3A_135 = arith.constant 0 : i32
    %dma_wait3A_136 = arith.constant 0 : i32
    %dma_wait3A_137 = tpu.memref_slice %arg10[%dma_wait3A_135, %dma_wait3A_136] : memref<1000x128xf32, #tpu.memory_space<vmem_shared>> -> memref<1000x128xf32, #tpu.memory_space<vmem_shared>>
    tpu.wait_indirect_dma semaphore(%arg14 : memref<!tpu.dma_semaphore, #tpu.memory_space<semaphore_mem>>) src(%dma_wait3A_131 : memref<128x128xf32, #tpu.memory_space<vmem>>) dst(%dma_wait3A_137 : memref<1000x128xf32, #tpu.memory_space<vmem_shared>>)
    %eq3A_138 = arith.constant 6 : i32
    %eq3A_139 = arith.cmpi eq, %add3A, %eq3A_138 : i32
    %convert_element_type3A_140 = arith.extui %eq3A_139 : i1 to i32
    %cond3A_141 = arith.constant 0 : i32
    %cond3A_142 = arith.cmpi ne, %convert_element_type3A_140, %cond3A_141 : i32
    scf.if %cond3A_142 {
      %run_scoped3A = arith.constant 0 : i32
      "tpu.region"() ({
        %run_scoped3A_150 = tpu.sem_alloc : memref<!tpu.dma_semaphore, #tpu.memory_space<semaphore_mem>>
        %dma_start3A_151 = arith.constant 0 : i32
        %dma_start3A_152 = arith.constant 0 : i32
        %dma_start3A_153 = tpu.memref_slice %arg5[%run_scoped3A, %dma_start3A_151, %dma_start3A_152] : memref<2x384x128xf32, #tpu.memory_space<vmem>> -> memref<1x32x128xf32, #tpu.memory_space<vmem>>
        %dma_start3A_154 = tpu.memref_squeeze %dma_start3A_153 : memref<1x32x128xf32, #tpu.memory_space<vmem>> -> memref<32x128xf32, #tpu.memory_space<vmem>>
        %dma_start3A_155 = arith.constant 99968 : i32
        %dma_start3A_156 = arith.constant 0 : i32
        %dma_start3A_157 = tpu.memref_slice %arg2[%dma_start3A_155, %dma_start3A_156] : memref<100000x128xf32, #tpu.memory_space<hbm>> -> memref<32x128xf32, #tpu.memory_space<hbm>>
        %dma_start3A_158 = arith.constant 0 : i32
        %dma_start3A_159 = arith.constant 0 : i32
        %dma_start3A_160 = tpu.memref_slice %arg5[%run_scoped3A, %dma_start3A_158, %dma_start3A_159] : memref<2x384x128xf32, #tpu.memory_space<vmem>> -> memref<1x32x128xf32, #tpu.memory_space<vmem>>
        %dma_start3A_161 = tpu.memref_squeeze %dma_start3A_160 : memref<1x32x128xf32, #tpu.memory_space<vmem>> -> memref<32x128xf32, #tpu.memory_space<vmem>>
        %dma_start3A_162 = arith.constant 99968 : i32
        %dma_start3A_163 = arith.constant 0 : i32
        %dma_start3A_164 = tpu.memref_slice %arg2[%dma_start3A_162, %dma_start3A_163] : memref<100000x128xf32, #tpu.memory_space<hbm>> -> memref<32x128xf32, #tpu.memory_space<hbm>>
        tpu.enqueue_dma source(%dma_start3A_164 : memref<32x128xf32, #tpu.memory_space<hbm>>) target(%dma_start3A_161 : memref<32x128xf32, #tpu.memory_space<vmem>>) target_semaphore(%run_scoped3A_150 : memref<!tpu.dma_semaphore, #tpu.memory_space<semaphore_mem>>)
        %dma_wait3A_165 = arith.constant 0 : i32
        %dma_wait3A_166 = arith.constant 0 : i32
        %dma_wait3A_167 = tpu.memref_slice %arg5[%run_scoped3A, %dma_wait3A_165, %dma_wait3A_166] : memref<2x384x128xf32, #tpu.memory_space<vmem>> -> memref<1x32x128xf32, #tpu.memory_space<vmem>>
        %dma_wait3A_168 = tpu.memref_squeeze %dma_wait3A_167 : memref<1x32x128xf32, #tpu.memory_space<vmem>> -> memref<32x128xf32, #tpu.memory_space<vmem>>
        %dma_wait3A_169 = arith.constant 99968 : i32
        %dma_wait3A_170 = arith.constant 0 : i32
        %dma_wait3A_171 = tpu.memref_slice %arg2[%dma_wait3A_169, %dma_wait3A_170] : memref<100000x128xf32, #tpu.memory_space<hbm>> -> memref<32x128xf32, #tpu.memory_space<hbm>>
        %dma_wait3A_172 = arith.constant 0 : i32
        %dma_wait3A_173 = arith.constant 0 : i32
        %dma_wait3A_174 = tpu.memref_slice %arg5[%run_scoped3A, %dma_wait3A_172, %dma_wait3A_173] : memref<2x384x128xf32, #tpu.memory_space<vmem>> -> memref<1x32x128xf32, #tpu.memory_space<vmem>>
        %dma_wait3A_175 = tpu.memref_squeeze %dma_wait3A_174 : memref<1x32x128xf32, #tpu.memory_space<vmem>> -> memref<32x128xf32, #tpu.memory_space<vmem>>
        %dma_wait3A_176 = arith.constant 99968 : i32
        %dma_wait3A_177 = arith.constant 0 : i32
        %dma_wait3A_178 = tpu.memref_slice %arg2[%dma_wait3A_176, %dma_wait3A_177] : memref<100000x128xf32, #tpu.memory_space<hbm>> -> memref<32x128xf32, #tpu.memory_space<hbm>>
        tpu.wait_dma2 semaphore(%run_scoped3A_150 : memref<!tpu.dma_semaphore, #tpu.memory_space<semaphore_mem>>) src(%dma_wait3A_178 : memref<32x128xf32, #tpu.memory_space<hbm>>) dst(%dma_wait3A_175 : memref<32x128xf32, #tpu.memory_space<vmem>>)
        tpu.yield
      }) : () -> ()
      "tpu.region"() ({
        %run_scoped3A_150 = tpu.sem_alloc : memref<!tpu.dma_semaphore, #tpu.memory_space<semaphore_mem>>
        %dma_start3A_151 = arith.constant 99968 : i32
        %dma_start3A_152 = tpu.memref_slice %arg3[%dma_start3A_151] : memref<100000xi32, #tpu.memory_space<hbm>> -> memref<32xi32, #tpu.memory_space<hbm>>
        %dma_start3A_153 = arith.constant 99968 : i32
        %dma_start3A_154 = tpu.memref_slice %arg3[%dma_start3A_153] : memref<100000xi32, #tpu.memory_space<hbm>> -> memref<32xi32, #tpu.memory_space<hbm>>
        tpu.enqueue_dma source(%dma_start3A_154 : memref<32xi32, #tpu.memory_space<hbm>>) target(%arg8 : memref<32xi32, #tpu.memory_space<vmem>>) target_semaphore(%run_scoped3A_150 : memref<!tpu.dma_semaphore, #tpu.memory_space<semaphore_mem>>)
        %dma_wait3A_155 = arith.constant 99968 : i32
        %dma_wait3A_156 = tpu.memref_slice %arg3[%dma_wait3A_155] : memref<100000xi32, #tpu.memory_space<hbm>> -> memref<32xi32, #tpu.memory_space<hbm>>
        %dma_wait3A_157 = arith.constant 99968 : i32
        %dma_wait3A_158 = tpu.memref_slice %arg3[%dma_wait3A_157] : memref<100000xi32, #tpu.memory_space<hbm>> -> memref<32xi32, #tpu.memory_space<hbm>>
        tpu.wait_dma2 semaphore(%run_scoped3A_150 : memref<!tpu.dma_semaphore, #tpu.memory_space<semaphore_mem>>) src(%dma_wait3A_158 : memref<32xi32, #tpu.memory_space<hbm>>) dst(%arg8 : memref<32xi32, #tpu.memory_space<vmem>>)
        tpu.yield
      }) : () -> ()
      %run_scoped3A_149 = arith.constant 0 : i32
      "tpu.region"() ({
        %run_scoped3A_150 = tpu.sem_alloc : memref<!tpu.dma_semaphore, #tpu.memory_space<semaphore_mem>>
        %dma_start3A_151 = arith.constant 0 : i32
        %dma_start3A_152 = arith.constant 0 : i32
        %dma_start3A_153 = tpu.memref_slice %arg5[%run_scoped3A_149, %dma_start3A_151, %dma_start3A_152] : memref<2x384x128xf32, #tpu.memory_space<vmem>> -> memref<1x32x128xf32, #tpu.memory_space<vmem>>
        %dma_start3A_154 = tpu.memref_squeeze %dma_start3A_153 : memref<1x32x128xf32, #tpu.memory_space<vmem>> -> memref<32x128xf32, #tpu.memory_space<vmem>>
        %dma_start3A_155 = arith.constant 0 : i32
        %dma_start3A_156 = arith.constant 0 : i32
        %dma_start3A_157 = tpu.memref_slice %arg10[%dma_start3A_155, %dma_start3A_156] : memref<1000x128xf32, #tpu.memory_space<vmem_shared>> -> memref<1000x128xf32, #tpu.memory_space<vmem_shared>>
        tpu.enqueue_indirect_dma source(%dma_start3A_154 : memref<32x128xf32, #tpu.memory_space<vmem>>) target(%dma_start3A_157 : memref<1000x128xf32, #tpu.memory_space<vmem_shared>>) offsets(%arg8 : memref<32xi32, #tpu.memory_space<vmem>>) semaphore(%run_scoped3A_150 : memref<!tpu.dma_semaphore, #tpu.memory_space<semaphore_mem>>) {add = true}
        %dma_wait3A_158 = arith.constant 0 : i32
        %dma_wait3A_159 = arith.constant 0 : i32
        %dma_wait3A_160 = tpu.memref_slice %arg5[%run_scoped3A_149, %dma_wait3A_158, %dma_wait3A_159] : memref<2x384x128xf32, #tpu.memory_space<vmem>> -> memref<1x32x128xf32, #tpu.memory_space<vmem>>
        %dma_wait3A_161 = tpu.memref_squeeze %dma_wait3A_160 : memref<1x32x128xf32, #tpu.memory_space<vmem>> -> memref<32x128xf32, #tpu.memory_space<vmem>>
        %dma_wait3A_162 = arith.constant 0 : i32
        %dma_wait3A_163 = arith.constant 0 : i32
        %dma_wait3A_164 = tpu.memref_slice %arg10[%dma_wait3A_162, %dma_wait3A_163] : memref<1000x128xf32, #tpu.memory_space<vmem_shared>> -> memref<1000x128xf32, #tpu.memory_space<vmem_shared>>
        tpu.wait_indirect_dma semaphore(%run_scoped3A_150 : memref<!tpu.dma_semaphore, #tpu.memory_space<semaphore_mem>>) src(%dma_wait3A_161 : memref<32x128xf32, #tpu.memory_space<vmem>>) dst(%dma_wait3A_164 : memref<1000x128xf32, #tpu.memory_space<vmem_shared>>)
        tpu.yield
      }) : () -> ()
    } else {
    }
    %barrier3A_143 = arith.constant 0 : index
    tpu.barrier barrier_id(%barrier3A_143)
    %eq3A_144 = arith.constant 0 : i32
    %eq3A_145 = arith.cmpi eq, %arg1, %eq3A_144 : i32
    %convert_element_type3A_146 = arith.extui %eq3A_145 : i1 to i32
    %cond3A_147 = arith.constant 0 : i32
    %cond3A_148 = arith.cmpi ne, %convert_element_type3A_146, %cond3A_147 : i32
    scf.if %cond3A_148 {
      "tpu.region"() ({
        %run_scoped3A = tpu.sem_alloc : memref<!tpu.dma_semaphore, #tpu.memory_space<semaphore_mem>>
        %dma_start3A_149 = arith.constant 0 : i32
        %dma_start3A_150 = arith.constant 0 : i32
        %dma_start3A_151 = tpu.memref_slice %arg4[%arg0, %dma_start3A_149, %dma_start3A_150] : memref<2x1000x128xf32, #tpu.memory_space<hbm>> -> memref<1x1000x128xf32, #tpu.memory_space<hbm>>
        %dma_start3A_152 = tpu.memref_squeeze %dma_start3A_151 : memref<1x1000x128xf32, #tpu.memory_space<hbm>> -> memref<1000x128xf32, #tpu.memory_space<hbm>>
        tpu.enqueue_dma source(%arg10 : memref<1000x128xf32, #tpu.memory_space<vmem_shared>>) target(%dma_start3A_152 : memref<1000x128xf32, #tpu.memory_space<hbm>>) target_semaphore(%run_scoped3A : memref<!tpu.dma_semaphore, #tpu.memory_space<semaphore_mem>>)
        %dma_wait3A_153 = arith.constant 0 : i32
        %dma_wait3A_154 = arith.constant 0 : i32
        %dma_wait3A_155 = tpu.memref_slice %arg4[%arg0, %dma_wait3A_153, %dma_wait3A_154] : memref<2x1000x128xf32, #tpu.memory_space<hbm>> -> memref<1x1000x128xf32, #tpu.memory_space<hbm>>
        %dma_wait3A_156 = tpu.memref_squeeze %dma_wait3A_155 : memref<1x1000x128xf32, #tpu.memory_space<hbm>> -> memref<1000x128xf32, #tpu.memory_space<hbm>>
        tpu.wait_dma2 semaphore(%run_scoped3A : memref<!tpu.dma_semaphore, #tpu.memory_space<semaphore_mem>>) src(%arg10 : memref<1000x128xf32, #tpu.memory_space<vmem_shared>>) dst(%dma_wait3A_156 : memref<1000x128xf32, #tpu.memory_space<hbm>>)
        tpu.yield
      }) : () -> ()
    } else {
    }
    return
  }
}

module attributes {stable_mosaic.version = 14 : i64} {
  func.func @_norm_body(%arg0: memref<2x1000x128xf32, #tpu.memory_space<vmem>>, %arg1: memref<128x1024xf32, #tpu.memory_space<vmem>>, %arg2: memref<1000x128xf32, #tpu.memory_space<vmem>>) attributes {dimension_semantics = [], scalar_prefetch = 0 : i64, scratch_operands = 0 : i64, tpu.core_type = #tpu.core_type<tc>} {
    %get3A = arith.constant 0 : index
    %get3A_0 = arith.constant 0 : index
    %get3A_1 = vector.load %arg1[%get3A, %get3A_0] : memref<128x1024xf32, #tpu.memory_space<vmem>>, vector<128x1024xf32>
    %transpose3A = tpu.transpose %get3A_1, [1, 0] : vector<128x1024xf32> -> vector<1024x128xf32>
    %slice3A = vector.extract_strided_slice %transpose3A {offsets = [0, 0], sizes = [1000, 128], strides = [1, 1]} : vector<1024x128xf32> to vector<1000x128xf32>
    %get3A_2 = arith.constant 0 : index
    %get3A_3 = arith.constant 0 : index
    %get3A_4 = arith.constant 0 : index
    %get3A_5 = vector.load %arg0[%get3A_2, %get3A_3, %get3A_4] : memref<2x1000x128xf32, #tpu.memory_space<vmem>>, vector<1x1000x128xf32>
    %get3A_6 = vector.shape_cast %get3A_5 : vector<1x1000x128xf32> to vector<1000x128xf32>
    %get3A_7 = arith.constant 1 : index
    %get3A_8 = arith.constant 0 : index
    %get3A_9 = arith.constant 0 : index
    %get3A_10 = vector.load %arg0[%get3A_7, %get3A_8, %get3A_9] : memref<2x1000x128xf32, #tpu.memory_space<vmem>>, vector<1x1000x128xf32>
    %get3A_11 = vector.shape_cast %get3A_10 : vector<1x1000x128xf32> to vector<1000x128xf32>
    %add3A = arith.addf %get3A_6, %get3A_11 : vector<1000x128xf32>
    %add3A_12 = arith.addf %add3A, %slice3A : vector<1000x128xf32>
    %mul3A = arith.mulf %add3A_12, %add3A_12 : vector<1000x128xf32>
    %reduce_sum3A = arith.constant dense<0.000000e+00> : vector<1000xf32>
    %reduce_sum3A_13 = vector.multi_reduction <add>, %mul3A, %reduce_sum3A [1] : vector<1000x128xf32> to vector<1000xf32>
    %broadcast_in_dim3A = vector.shape_cast %reduce_sum3A_13 : vector<1000xf32> to vector<1000x1xf32>
    %sqrt3A = math.sqrt %broadcast_in_dim3A : vector<1000x1xf32>
    %max3A = arith.constant 9.99999996E-13 : f32
    %max3A_14 = vector.broadcast %max3A : f32 to vector<1000x1xf32>
    %max3A_15 = arith.maximumf %sqrt3A, %max3A_14 : vector<1000x1xf32>
    %div3A = vector.broadcast %max3A_15 : vector<1000x1xf32> to vector<1000x128xf32>
    %div3A_16 = arith.divf %add3A_12, %div3A : vector<1000x128xf32>
    %swap3A = arith.constant 0 : index
    %swap3A_17 = arith.constant 0 : index
    %swap3A_18 = vector.load %arg2[%swap3A, %swap3A_17] : memref<1000x128xf32, #tpu.memory_space<vmem>>, vector<1000x128xf32>
    tpu.vector_store %arg2[%swap3A, %swap3A_17], %div3A_16 {strides = array<i32>} : memref<1000x128xf32, #tpu.memory_space<vmem>>, vector<1000x128xf32>,
    return
  }
}

module attributes {stable_mosaic.version = 14 : i64} {
  func.func @_tc_body(%arg0: i32, %arg1: memref<1024x128xf32, #tpu.memory_space<vmem>>, %arg2: memref<1024xi32, #tpu.memory_space<vmem>>, %arg3: memref<1024x128xf32, #tpu.memory_space<vmem>>, %arg4: memref<1024xi32, #tpu.memory_space<vmem>>, %arg5: memref<128x1024xf32, #tpu.memory_space<vmem>>) attributes {dimension_semantics = [#tpu.dimension_semantics<arbitrary>], iteration_bounds = array<i64: 26>, scalar_prefetch = 0 : i64, scratch_operands = 0 : i64, tpu.core_type = #tpu.core_type<tc>, window_params = [{transform_indices = @transform_0, window_bounds = array<i64: 1024, 128>}, {transform_indices = @transform_1, window_bounds = array<i64: 1024>}, {transform_indices = @transform_2, window_bounds = array<i64: 1024, 128>}, {transform_indices = @transform_3, window_bounds = array<i64: 1024>}, {pipeline_mode = #tpu.pipeline_mode<synchronous>, transform_indices = @transform_4, window_bounds = array<i64: 128, 1024>}]} {
    %lt3A = arith.constant 16 : i32
    %lt3A_0 = arith.cmpi slt, %arg0, %lt3A : i32
    %convert_element_type3A = arith.extui %lt3A_0 : i1 to i32
    %cond3A = arith.constant 0 : i32
    %cond3A_1 = arith.cmpi ne, %convert_element_type3A, %cond3A : i32
    scf.if %cond3A_1 {
      %get3A = arith.constant 0 : index
      %get3A_6 = vector.load %arg2[%get3A] : memref<1024xi32, #tpu.memory_space<vmem>>, vector<1024xi32>
      %reshape3A = vector.shape_cast %get3A_6 : vector<1024xi32> to vector<1024x1xi32>
      %iota3A = tpu.iota {dimensions = array<i32: 1>} : vector<1024x1024xi32>
      %eq3A = vector.broadcast %reshape3A : vector<1024x1xi32> to vector<1024x1024xi32>
      %eq3A_7 = arith.cmpi eq, %eq3A, %iota3A : vector<1024x1024xi32>
      %convert_element_type3A_8 = arith.extui %eq3A_7 : vector<1024x1024xi1> to vector<1024x1024xi32>
      %convert_element_type3A_9 = arith.sitofp %convert_element_type3A_8 : vector<1024x1024xi32> to vector<1024x1024xf32>
      %convert_element_type3A_10 = arith.truncf %convert_element_type3A_9 : vector<1024x1024xf32> to vector<1024x1024xbf16>
      %get3A_11 = arith.constant 0 : index
      %get3A_12 = arith.constant 0 : index
      %get3A_13 = vector.load %arg1[%get3A_11, %get3A_12] : memref<1024x128xf32, #tpu.memory_space<vmem>>, vector<1024x128xf32>
      %convert_element_type3A_14 = arith.truncf %get3A_13 : vector<1024x128xf32> to vector<1024x128xbf16>
      %dot_general3A = arith.constant dense<0.000000e+00> : vector<128x1024xf32>
      %dot_general3A_15 = tpu.matmul %convert_element_type3A_14, %convert_element_type3A_10, %dot_general3A {dimension_numbers = #tpu.dot_dimension_numbers<[0], [0], [1], [1], [0, 1, 1, 1], [], []>, transpose_lhs_hint = false} : vector<1024x128xbf16>, vector<1024x1024xbf16>, vector<128x1024xf32> -> vector<128x1024xf32>
      %eq3A_16 = arith.constant 0 : i32
      %eq3A_17 = arith.cmpi eq, %arg0, %eq3A_16 : i32
      %convert_element_type3A_18 = arith.extui %eq3A_17 : i1 to i32
      %cond3A_19 = arith.constant 0 : i32
      %cond3A_20 = arith.cmpi ne, %convert_element_type3A_18, %cond3A_19 : i32
      scf.if %cond3A_20 {
        %swap3A = arith.constant 0 : index
        %swap3A_25 = arith.constant 0 : index
        %swap3A_26 = vector.load %arg5[%swap3A, %swap3A_25] : memref<128x1024xf32, #tpu.memory_space<vmem>>, vector<128x1024xf32>
        tpu.vector_store %arg5[%swap3A, %swap3A_25], %dot_general3A_15 {strides = array<i32>} : memref<128x1024xf32, #tpu.memory_space<vmem>>, vector<128x1024xf32>,
      } else {
      }
      %gt3A = arith.constant 0 : i32
      %gt3A_21 = arith.cmpi sgt, %arg0, %gt3A : i32
      %convert_element_type3A_22 = arith.extui %gt3A_21 : i1 to i32
      %cond3A_23 = arith.constant 0 : i32
      %cond3A_24 = arith.cmpi ne, %convert_element_type3A_22, %cond3A_23 : i32
      scf.if %cond3A_24 {
        %get3A_25 = arith.constant 0 : index
        %get3A_26 = arith.constant 0 : index
        %get3A_27 = vector.load %arg5[%get3A_25, %get3A_26] : memref<128x1024xf32, #tpu.memory_space<vmem>>, vector<128x1024xf32>
        %add3A = arith.addf %get3A_27, %dot_general3A_15 : vector<128x1024xf32>
        %swap3A = arith.constant 0 : index
        %swap3A_28 = arith.constant 0 : index
        %swap3A_29 = vector.load %arg5[%swap3A, %swap3A_28] : memref<128x1024xf32, #tpu.memory_space<vmem>>, vector<128x1024xf32>
        tpu.vector_store %arg5[%swap3A, %swap3A_28], %add3A {strides = array<i32>} : memref<128x1024xf32, #tpu.memory_space<vmem>>, vector<128x1024xf32>,
      } else {
      }
    } else {
    }
    %ge3A = arith.constant 16 : i32
    %ge3A_2 = arith.cmpi sge, %arg0, %ge3A : i32
    %convert_element_type3A_3 = arith.extui %ge3A_2 : i1 to i32
    %cond3A_4 = arith.constant 0 : i32
    %cond3A_5 = arith.cmpi ne, %convert_element_type3A_3, %cond3A_4 : i32
    scf.if %cond3A_5 {
      %get3A = arith.constant 0 : index
      %get3A_6 = vector.load %arg4[%get3A] : memref<1024xi32, #tpu.memory_space<vmem>>, vector<1024xi32>
      %reshape3A = vector.shape_cast %get3A_6 : vector<1024xi32> to vector<1024x1xi32>
      %iota3A = tpu.iota {dimensions = array<i32: 1>} : vector<1024x1024xi32>
      %eq3A = vector.broadcast %reshape3A : vector<1024x1xi32> to vector<1024x1024xi32>
      %eq3A_7 = arith.cmpi eq, %eq3A, %iota3A : vector<1024x1024xi32>
      %convert_element_type3A_8 = arith.extui %eq3A_7 : vector<1024x1024xi1> to vector<1024x1024xi32>
      %convert_element_type3A_9 = arith.sitofp %convert_element_type3A_8 : vector<1024x1024xi32> to vector<1024x1024xf32>
      %convert_element_type3A_10 = arith.truncf %convert_element_type3A_9 : vector<1024x1024xf32> to vector<1024x1024xbf16>
      %get3A_11 = arith.constant 0 : index
      %get3A_12 = arith.constant 0 : index
      %get3A_13 = vector.load %arg3[%get3A_11, %get3A_12] : memref<1024x128xf32, #tpu.memory_space<vmem>>, vector<1024x128xf32>
      %convert_element_type3A_14 = arith.truncf %get3A_13 : vector<1024x128xf32> to vector<1024x128xbf16>
      %dot_general3A = arith.constant dense<0.000000e+00> : vector<128x1024xf32>
      %dot_general3A_15 = tpu.matmul %convert_element_type3A_14, %convert_element_type3A_10, %dot_general3A {dimension_numbers = #tpu.dot_dimension_numbers<[0], [0], [1], [1], [0, 1, 1, 1], [], []>, transpose_lhs_hint = false} : vector<1024x128xbf16>, vector<1024x1024xbf16>, vector<128x1024xf32> -> vector<128x1024xf32>
      %eq3A_16 = arith.constant 0 : i32
      %eq3A_17 = arith.cmpi eq, %arg0, %eq3A_16 : i32
      %convert_element_type3A_18 = arith.extui %eq3A_17 : i1 to i32
      %cond3A_19 = arith.constant 0 : i32
      %cond3A_20 = arith.cmpi ne, %convert_element_type3A_18, %cond3A_19 : i32
      scf.if %cond3A_20 {
        %swap3A = arith.constant 0 : index
        %swap3A_25 = arith.constant 0 : index
        %swap3A_26 = vector.load %arg5[%swap3A, %swap3A_25] : memref<128x1024xf32, #tpu.memory_space<vmem>>, vector<128x1024xf32>
        tpu.vector_store %arg5[%swap3A, %swap3A_25], %dot_general3A_15 {strides = array<i32>} : memref<128x1024xf32, #tpu.memory_space<vmem>>, vector<128x1024xf32>,
      } else {
      }
      %gt3A = arith.constant 0 : i32
      %gt3A_21 = arith.cmpi sgt, %arg0, %gt3A : i32
      %convert_element_type3A_22 = arith.extui %gt3A_21 : i1 to i32
      %cond3A_23 = arith.constant 0 : i32
      %cond3A_24 = arith.cmpi ne, %convert_element_type3A_22, %cond3A_23 : i32
      scf.if %cond3A_24 {
        %get3A_25 = arith.constant 0 : index
        %get3A_26 = arith.constant 0 : index
        %get3A_27 = vector.load %arg5[%get3A_25, %get3A_26] : memref<128x1024xf32, #tpu.memory_space<vmem>>, vector<128x1024xf32>
        %add3A = arith.addf %get3A_27, %dot_general3A_15 : vector<128x1024xf32>
        %swap3A = arith.constant 0 : index
        %swap3A_28 = arith.constant 0 : index
        %swap3A_29 = vector.load %arg5[%swap3A, %swap3A_28] : memref<128x1024xf32, #tpu.memory_space<vmem>>, vector<128x1024xf32>
        tpu.vector_store %arg5[%swap3A, %swap3A_28], %add3A {strides = array<i32>} : memref<128x1024xf32, #tpu.memory_space<vmem>>, vector<128x1024xf32>,
      } else {
      }
    } else {
    }
    return
  }
  func.func @transform_0(%arg0: i32) -> (i32, i32) {
    %min3A = arith.constant 15 : i32
    %min3A_0 = arith.minsi %arg0, %min3A : i32
    %c0_i32 = arith.constant 0 : i32
    %c0_i32_1 = arith.constant 0 : i32
    return %min3A_0, %c0_i32 : i32, i32
  }
  func.func @transform_1(%arg0: i32) -> i32 {
    %min3A = arith.constant 15 : i32
    %min3A_0 = arith.minsi %arg0, %min3A : i32
    %c0_i32 = arith.constant 0 : i32
    return %min3A_0 : i32
  }
  func.func @transform_2(%arg0: i32) -> (i32, i32) {
    %max3A = arith.constant 16 : i32
    %max3A_0 = arith.maxsi %arg0, %max3A : i32
    %c0_i32 = arith.constant 0 : i32
    %c0_i32_1 = arith.constant 0 : i32
    return %max3A_0, %c0_i32 : i32, i32
  }
  func.func @transform_3(%arg0: i32) -> i32 {
    %max3A = arith.constant 16 : i32
    %max3A_0 = arith.maxsi %arg0, %max3A : i32
    %c0_i32 = arith.constant 0 : i32
    return %max3A_0 : i32
  }
  func.func @transform_4(%arg0: i32) -> (i32, i32) {
    %c0_i32 = arith.constant 0 : i32
    %c0_i32_0 = arith.constant 0 : i32
    %c0_i32_1 = arith.constant 0 : i32
    return %c0_i32, %c0_i32_0 : i32, i32
  }
}

</mosaic_0001>

<sc_bundles>
// kernel: kernel.5.cloned.1.call-start
scs
__scs_entry_jumppad:
0x0: {  	(pc) =	sbr.rel $0x88, $3  }
0x1: {  	(tag) =	ssettag $0x0;
	lr =	simm.s32 $0x1  }
0x2: {  	[smem:$0x3F9D] =	sst lr;
	_ =	strace $0xD0000000  }
0x3: {  	_ = 	snop  }
0x4: {  	_ = 	snop  }
0x5: {  	_ = 	snop  }
0x6: {  	_ = 	snop  }
0x7: {  	_ = 	snop  }
__scs_overlays_trampoline_lowered:
0x8: {  	[smem:$0x3FAC] =	sst s0  }
0x9: {  	[smem:$0x3FAD] =	sst s1  }
0xa: {  	[smem:$0x3FAE] =	sst s2  }
0xb: {  	[smem:$0x3FAF] =	sst s3  }
0xc: {  	[smem:$0x3FB0] =	sst s4  }
0xd: {  	[smem:$0x3FB1] =	sst s5  }
0xe: {  	[smem:$0x3FB2] =	sst s6  }
0xf: {  	[smem:$0x3FB3] =	sst s7  }
0x10: {  	[smem:$0x3FB4] =	sst s8  }
0x11: {  	[smem:$0x3FB5] =	sst s9;
	s0 =	simm.s32 @!p0 $0x0  }
0x12: {  	s1 =	sld [smem:$0x3F9B];
	s0 =	simm.s32 @p0 $0x1  }
0x13: {  	[smem:$0x3FB6] =	sst s0;
	s0 =	simm.s32 @!p1 $0x0  }
0x14: {  	s2 =	sld [smem:$0x3F9A];
	s0 =	simm.s32 @p1 $0x1  }
0x15: {  	[smem:$0x3FB7] =	sst s0;
	s0 =	simm.s32 @!p2 $0x0  }
0x16: {  	s3 =	sld [smem:$0x3FDB];
	s0 =	simm.s32 @p2 $0x1  }
0x17: {  	s4 =	simm.s32 $0x1BF5;
	[smem:$0x3FB9] =	sst s0  }
0x18: {  	s0 =	sld [smem:$0x3F9C];
	_ =	swait.ge [sflag:s4], $0x0  }
0x19: {  	s7 =	sld [smem:$0x3F9D]  }
0x1a: {  	s8 =	sadd.s32 $0xFFFFE003, lr  }
0x1b: {  	s9 =	sadd.s32 $0xFFFFFEF7, lr;
	s5 =	simm.s32 $0xFFFFFFFF;
	p2 =	slt.u32 s8, $0xFFFFF086  }
0x1c: {  	p1 =	slt.u32 s9, $0xF7A;
	s5 =	simm.s32 @!p2 $0x0  }
0x1d: {  	s5 =	simm.s32 @p1 $0x1;
	p0 =	seq.s32 s7, s2  }
0x1e: {  	s7 =	smul.u32 @!p0 $0xF7A, s2;
	p2 =	seq.s32 @!p0 s5, $0x0  }
0x1f: {  	s9 =	smul.u32 $0xF7A, s1;
	s8 =	simm.s32 @!p0 $0x1BF5;
	p2 =	por !p2, p0  }
0x20: {  	[sflag:s8] =	ssyncset.s32 @!p0 $0xFFFFF086;
	s6 =	sadd.s32 @!p0 s3, s7;
	s7 =	simm.s32 @!p0 $0x108  }
0x21: {  	s3 =	sadd.s32 s3, s9;
	s6 =	sadd.s32 @!p0 $0x88, s6;
	s7 =	simm.s32 @p2 $0x1082  }
0x22: {  	[simem:s7], [sflag:s8] =	dma.local @!p0 [hbm:s6], $0xF7A  }
0x23: {  	s9 =	sor.u32 $0xD0000000, s2;
	s6 =	simm.s32 $0x108;
	_ =	swait.ge @!p0 [sflag:s8], $0x0  }
0x24: {  	s3 =	sadd.s32 $0x88, s3;
	s6 =	simm.s32 @!p1 $0x1082;
	[sflag:s4] =	ssyncset.s32 $0xFFFFF086  }
0x25: {  	[simem:s6], [sflag:s4] =	dma.local [hbm:s3], $0xF7A  }
0x26: {  	[smem:$0x3F9D] =	sst s1;
	(tag) =	ssettag s2;
	_ =	strace s9  }
0x27: {  	s1 =	sld [smem:$0x3FAD]  }
0x28: {  	s2 =	sld [smem:$0x3FAE]  }
0x29: {  	s4 =	sld [smem:$0x3FB0]  }
0x2a: {  	p0 =	seq.s32 s5, $0x0;
	s5 =	sld [smem:$0x3FB1]  }
0x2b: {  	s6 =	sld [smem:$0x3FB2]  }
0x2c: {  	s7 =	sld [smem:$0x3FB3]  }
0x2d: {  	s3 =	simm.s32 $0x108;
	s8 =	sld [smem:$0x3FB4]  }
0x2e: {  	s3 =	simm.s32 @!p0 $0x1082;
	s9 =	sld [smem:$0x3FB5]  }
0x2f: {  	lr =	sadd.s32 s0, s3;
	s0 =	sld [smem:$0x3FAC]  }
0x30: {  	s3 =	sld [smem:$0x3FAF]  }
0x31: {  	[smem:$0x3FB8] =	sst s10  }
0x32: {  	s10 =	sld [smem:$0x3FB6];
	_ =	sdelay $0x3  }
0x33: {  	p0 =	seq.s32 s10, $0x1;
	s10 =	sld [smem:$0x3FB8];
	_ =	sdelay $0x3  }
0x34: {  	[smem:$0x3FB8] =	sst s10  }
0x35: {  	s10 =	sld [smem:$0x3FB7];
	_ =	sdelay $0x3  }
0x36: {  	p1 =	seq.s32 s10, $0x1;
	s10 =	sld [smem:$0x3FB8];
	_ =	sdelay $0x3  }
0x37: {  	[smem:$0x3FB8] =	sst s10  }
0x38: {  	s10 =	sld [smem:$0x3FB9]  }
0x39: {  	_ = 	snop;
	(pc) =	sbr.ind lr, $3  }
0x3a: {  	_ = 	snop  }
0x3b: {  	_ = 	snop  }
0x3c: {  	p2 =	seq.s32 s10, $0x1;
	s10 =	sld [smem:$0x3FB8]  }
0x3d: {  	_ =	shalt  }
0x3e: {  	_ =	shalt  }
0x3f: {  	_ =	shalt  }
0x40: {  	_ =	shalt  }
0x41: {  	_ =	shalt  }
0x42: {  	_ =	shalt  }
0x43: {  	_ =	shalt  }
0x44: {  	_ =	shalt  }
0x45: {  	_ =	shalt  }
0x46: {  	_ =	shalt  }
0x47: {  	_ =	shalt  }
0x48: {  	_ =	shalt  }
0x49: {  	_ =	shalt  }
0x4a: {  	_ =	shalt  }
0x4b: {  	_ =	shalt  }
0x4c: {  	_ =	shalt  }
0x4d: {  	_ =	shalt  }
0x4e: {  	_ =	shalt  }
0x4f: {  	_ =	shalt  }
0x50: {  	_ =	shalt  }
0x51: {  	_ =	shalt  }
0x52: {  	_ =	shalt  }
0x53: {  	_ =	shalt  }
0x54: {  	_ =	shalt  }
0x55: {  	_ =	shalt  }
0x56: {  	_ =	shalt  }
0x57: {  	_ =	shalt  }
0x58: {  	_ =	shalt  }
0x59: {  	_ =	shalt  }
0x5a: {  	_ =	shalt  }
0x5b: {  	_ =	shalt  }
0x5c: {  	_ =	shalt  }
0x5d: {  	_ =	shalt  }
0x5e: {  	_ =	shalt  }
0x5f: {  	_ =	shalt  }
0x60: {  	_ =	shalt  }
0x61: {  	_ =	shalt  }
0x62: {  	_ =	shalt  }
0x63: {  	_ =	shalt  }
0x64: {  	_ =	shalt  }
0x65: {  	_ =	shalt  }
0x66: {  	_ =	shalt  }
0x67: {  	_ =	shalt  }
0x68: {  	_ =	shalt  }
0x69: {  	_ =	shalt  }
0x6a: {  	_ =	shalt  }
0x6b: {  	_ =	shalt  }
0x6c: {  	_ =	shalt  }
0x6d: {  	_ =	shalt  }
0x6e: {  	_ =	shalt  }
0x6f: {  	_ =	shalt  }
0x70: {  	_ =	shalt  }
0x71: {  	_ =	shalt  }
0x72: {  	_ =	shalt  }
0x73: {  	_ =	shalt  }
0x74: {  	_ =	shalt  }
0x75: {  	_ =	shalt  }
0x76: {  	_ =	shalt  }
0x77: {  	_ =	shalt  }
0x78: {  	_ =	shalt  }
0x79: {  	_ =	shalt  }
0x7a: {  	_ =	shalt  }
0x7b: {  	_ =	shalt  }
0x7c: {  	_ =	shalt  }
0x7d: {  	_ =	shalt  }
0x7e: {  	_ =	shalt  }
0x7f: {  	_ =	shalt  }
0x80: {  	_ =	shalt  }
0x81: {  	_ =	shalt  }
0x82: {  	_ =	shalt  }
0x83: {  	_ =	shalt  }
0x84: {  	_ =	shalt  }
0x85: {  	_ =	shalt  }
0x86: {  	_ =	shalt  }
0x87: {  	_ =	shalt  }
.Lfunc_end0:
.L_simem_size_0:
called_computation_lowered:
.L_overlay_start_0:
0x88: {  	s2 =	sld [smem:$0x3FD9]  }
0x89: {  	s3 =	sld [smem:$0x3FFE];
	_ =	sdelay $0x1  }
0x8a: {  	s1 =	srdreg.scid  }
0x8b: {  	s0 =	sand.u32 $0x1, s1  }
0x8c: {  	s17 =	sshll.u32 s0, $0xA;
	s2 =	sadd.s32 s3, s2  }
0x8d: {  	s2 =	sadd.s32 s2, s17  }
0x8e: {  	[smem:$0x3FC4] =	sst s2  }
0x8f: {  	_ = 	snop  }
0x90: {  	s2 =	sld [smem:$0x3FC7]  }
0x91: {  	s18 =	sld [smem:$0x3FC6];
	(tm) =	ssettm $0x1  }
0x92: {  	s4 =	sld [smem:$0x3FFB];
	_ =	sdelay $0x3  }
0x93: {  	_ =	strace s4  }
0x94: {  	s4 =	sld [smem:$0x3FFC];
	_ =	sdelay $0x3  }
0x95: {  	_ =	strace s4  }
0x96: {  	s4 =	sld [smem:$0x3FFD];
	_ =	sdelay $0x3  }
0x97: {  	_ =	strace s4  }
0x98: {  	_ =	strace $0x8FFFFFFF  }
0x99: {  	s19 =	sld [smem:$0x3FDB];
	_ =	sdelay $0x1  }
0x9a: {  	s5 =	simm.s32 $_scs_section_size  }
0x9b: {  	s6 =	simm.s32 $_size__tile_overlayer_lowered;
	s7 =	simm.s32 $_tile_overlayer_lowered  }
0x9c: {  	s22 =	simm.s32 $0x1BFF;
	s21 =	sshll.u32 s7, $0x1;
	s4 =	sadd.s32 s5, s19  }
0x9d: {  	s8 =	simm.s32 $0x0;
	s20 =	sshll.u32 s6, $0x1;
	s6 =	sadd.s32 s21, s4  }
0x9e: {  	[timem:s8], [sflag:s22] =	dma.local [hbm:s6], s20  }
0x9f: {  	_ =	swait.ge [sflag:s22], s20  }
0xa0: {  	s5 =	ssub.s32 $0x0, s20;
	[sflag:s22] =	ssyncset.done $0x0  }
0xa1: {  	[sflag:s22] =	ssyncadd.s32 s5;
	_ =	sdelay $0x1  }
0xa2: {  	s23 =	simm.s32 $0x1B8B  }
0xa3: {  	_ =	swait.ge [sflag:s23], $0x1  }
0xa4: {  	[sflag:s23] =	ssyncset.done $0x0  }
0xa5: {  	s25 =	simm.s32 $0x1B8E;
	s24 =	sld [smem:$0x3FFE];
	[sflag:s23] =	ssyncadd.s32 $0xFFFFFFFF  }
0xa6: {  	s26 =	simm.s32 $execute0_lowered;
	[smem:$0x3FD2] =	sst s25  }
0xa7: {  	s6 =	sshll.u32 s26, $0x1;
	_ =	strace $0x80000046;
	[dreg:$0x1] =	wrdreg $0xFFFFFFFF  }
0xa8: {  	s28 =	simm.s32 $_size_execute0_lowered;
	s4 =	sadd.s32 s4, s6;
	[dreg:$0x0] =	wrdreg $0x0  }
0xa9: {  	s6 =	sshll.u32 s28, $0x1;
	[dreg:$0x2] =	wrdreg s4  }
0xaa: {  	[dreg:$0x3] =	wrdreg s6  }
0xab: {  	[dreg:$0x4] =	wrdreg $0xC0  }
0xac: {  	_ =	task [dreg:s8], $0x5FFFF  }
0xad: {  	[dreg:$0x1] =	wrdreg $0xFFFFFFFF  }
0xae: {  	[dreg:$0x0] =	wrdreg $0x60  }
0xaf: {  	[dreg:$0x2] =	wrdreg s2  }
0xb0: {  	[dreg:$0x3] =	wrdreg s18  }
0xb1: {  	[dreg:$0x4] =	wrdreg s24  }
0xb2: {  	[dreg:$0x5] =	wrdreg $0x1AC800  }
0xb3: {  	[dreg:$0x6] =	wrdreg $0x9  }
0xb4: {  	_ =	task.clear_ibuf [dreg:s8], $0x7FFFF;
	_ =	strace $0x90000046  }
0xb5: {  	s29 =	simm.s32 $0x9;
	_ =	strace $0x80000048  }
0xb6: {  	_ =	swait.ge [sflag:s29], $0x1  }
0xb7: {  	[sflag:s29] =	ssyncadd.s32 $0xFFFFFFFF  }
0xb8: {  	_ =	strace $0x90000048  }
0xb9: {  	_ =	sfence  }
0xba: {  	s30 =	sld [smem:$0x0];
	_ =	sdelay $0x2  }
0xbb: {  	s31 =	sshll.u32 s1, $0xD;
	s1 =	sshrl.u32 s1, $0x2  }
0xbc: {  	s3 =	sand.u32 $0x4000, s31;
	s1 =	sadd.s32 s1, s30  }
0xbd: {  	s0 =	sor.u32 s3, s0;
	s1 =	sshll.u32 s1, $0x11  }
0xbe: {  	s0 =	sor.u32 s1, s0  }
0xbf: {  	s0 =	sadd.s32 $0x8F2B, s0  }
0xc0: {  	[sflag:s0] =	ssyncadd.remote.s32 $0x1  }
0xc1: {  	_ =	sfence.sel $0xFFFF  }
0xc2: {  	[dreg:$0x0] =	wrdreg $0xFFFFFFFF;
	(pc) =	sbr.abs _section_cstart, $3  }
0xc3: {  	[dreg:$0x1] =	wrdreg $0xFFFFFFFF  }
0xc4: {  	_ =	task.clear_ibuf [dreg:s8], $0x2FFFF;
	_ =	strace $0x9FFFFFFF  }
0xc5: {  	(tm) =	ssettm $0x7FFFFFFF  }
tec
execute0_lowered:
.L_overlay_start_1:
0x0: {  	(tag) =	ssettag $0x1  }
0x1: {  	s1 =	rddreg [dreg:$0x0]  }
0x2: {  	s0 =	rddreg [dreg:$0x1]  }
0x3: {  	s5 =	rddreg [dreg:$0x2]  }
0x4: {  	s2 =	rddreg [dreg:$0x3];
	s3 =	simm.s32 $0x0;
	s4 =	srdreg.scid  }
0x5: {  	s7 =	stileid.u32;
	s18 =	simm.s32 $0xC000;
	s19 =	simm.s32 $0x80  }
0x6: {  	s28 =	simm.s32 $0x2;
	s29 =	simm.s32 $0x10000;
	s30 =	simm.s32 $0x14000  }
0x7: {  	s31 =	simm.s32 $0x0;
	[smem:$0x7FF] =	sst s3;
	s8 =	sand.u32 $0x1, s4  }
0x8: {  	s22 =	sshll.u32 s7, $0x1;
	s15 =	smul.u32 $0x300, s7;
	s24 =	sshll.u32 s7, $0xD  }
0x9: {  	s25 =	sadd.s32 $0x1E000, s2;
	p1 =	sne.s32 s7, $0x0;
	s6 =	smul.u32 $0x3E80, s8  }
0xa: {  	s9 =	ssub.s32 $0x2, s8;
	s4 =	sor.u32 s8, s22;
	_ =	strace $0x80000047  }
0xb: {  	s8 =	smul.u32 $0x180, s8;
	[dreg:$0x7] =	wrdreg s25;
	s25 =	simm.s32 $0x3  }
0xc: {  	s10 =	sshrl.u32 s9, $0x1;
	s11 =	smul.u32 $0xC000, s4;
	p0 =	seq.s32 s4, $0x1F  }
0xd: {  	p2 =	sne.s32 s4, $0x6;
	s12 =	sadd.s32 s6, s5;
	s13 =	ssub.s32 s9, s10  }
0xe: {  	s5 =	simm.s32 $0x5;
	s6 =	simm.s32 $0x5;
	s10 =	sadd.s32 $0x186800, s1  }
0xf: {  	s8 =	sadd.s32 s8, s15;
	s23 =	sshrl.u32 s11, $0x3;
	s6 =	simm.s32 @!p0 $0x6  }
0x10: {  	s11 =	sadd.s32 $0x30D0, s0;
	s12 =	sadd.s32 $0xC00, s12;
	s13 =	smax.u32 s13, $0x1  }
0x11: {  	s15 =	sadd.s32 $0x6900, s8;
	s16 =	sadd.s32 $0x6880, s8;
	s17 =	sadd.s32 $0x6800, s8  }
.Ltmp0:
0x12: {  	p0 =	seq.s32 s7, $0xF;
	s14 =	sadd.s32 s1, s23;
	(pc) =	sbr.rel .LBB2_1-.Ltmp0, $4  }
0x13: {  	s15 =	sshrl.u32 s15, $0x3;
	s26 =	sshrl.u32 s16, $0x3;
	s17 =	sshrl.u32 s17, $0x3  }
0x14: {  	s9 =	sadd.s32 $0x68000, s14;
	s14 =	sadd.s32 $0x98000, s14;
	s8 =	sadd.s32 s15, s0  }
0x15: {  	s16 =	sadd.s32 s26, s0;
	[dreg:$0x5] =	wrdreg s9;
	s9 =	sadd.s32 s24, s2  }
0x16: {  	v0 =	vimm.f32 $0.0e+00;
	s17 =	sadd.s32 s17, s0;
	s26 =	simm.s32 $0x4;
	[dreg:$0x6] =	wrdreg s9  }
.LBB2_11:
0x17: {  	_ =	swait.ge [sflag:s25], $0x4000  }
0x18: {  	[sflag:s25] =	ssyncset.done $0x0  }
0x19: {  	[sflag:s25] =	ssyncadd.s32 $0xFFFFC000  }
0x1a: {  	_ =	swait.ge [sflag:s25], $0x4000  }
0x1b: {  	[sflag:s25] =	ssyncset.done $0x0  }
0x1c: {  	[sflag:s25] =	ssyncadd.s32 $0xFFFFC000  }
0x1d: {  	_ =	swait.ge [sflag:s25], $0x4000  }
0x1e: {  	[sflag:s25] =	ssyncset.done $0x0  }
0x1f: {  	[sflag:s25] =	ssyncadd.s32 $0xFFFFC000  }
0x20: {  	_ =	swait.ge [sflag:s26], $0x4000  }
0x21: {  	[sflag:s26] =	ssyncset.done $0x0  }
0x22: {  	[sflag:s26] =	ssyncadd.s32 $0xFFFFC000  }
0x23: {  	_ =	swait.ge [sflag:s26], $0x4000  }
0x24: {  	[sflag:s26] =	ssyncset.done $0x0  }
0x25: {  	[sflag:s26] =	ssyncadd.s32 $0xFFFFC000  }
0x26: {  	_ =	swait.ge [sflag:s26], $0x4000  }
0x27: {  	[sflag:s26] =	ssyncset.done $0x0  }
0x28: {  	s0 =	simm.s32 @!p2 $0x0;
	s7 =	simm.s32 @!p2 $0x6;
	[sflag:s26] =	ssyncadd.s32 $0xFFFFC000  }
0x29: {  	[tilespmem:s0], [sflag:$0x6] =	stream.linear.gather @!p2 [hbm4b:s10+s0], $0x1000, $0x38;
	[tilespmem:$0x1CBC0] =	vst v63  }
0x2a: {  	_ =	swait.ge @!p2 [sflag:s7], $0x1000  }
0x2b: {  	[sflag:s7] =	ssyncset.done @!p2 $0x0  }
0x2c: {  	s9 =	simm.s32 @!p2 $0x18C00;
	[sflag:s7] =	ssyncadd.s32 @!p2 $0xFFFFF000  }
0x2d: {  	[tilespmem:s9], [sflag:$0x6] =	stream.linear.gather @!p2 [hbm4b:s11+s0], $0x20, $0x38;
	[tilespmem:$0x1CBC0] =	vst v63  }
0x2e: {  	_ =	swait.ge @!p2 [sflag:s7], $0x20  }
0x2f: {  	[sflag:s7] =	ssyncset.done @!p2 $0x0  }
0x30: {  	s15 =	simm.s32 @!p2 $0x20;
	[sflag:s7] =	ssyncadd.s32 @!p2 $0xFFFFFFE0  }
0x31: {  	[spmem:s2] =	stream.indirect.scatter.add.f32 @!p2 [tilespmem:s0], [sflag:$0x6], $0x80, s9, s15, $0xb8;
	[tilespmem:$0x1CBC0] =	vst v63  }
0x32: {  	_ =	swait.ge @!p2 [sflag:s7], $0x1000  }
0x33: {  	s31 =	sadd.s32 $0x1, s31;
	[sflag:s7] =	ssyncset.done @!p2 $0x0  }
0x34: {  	p3 =	sne.s32 s31, s13;
	[sflag:s7] =	ssyncadd.s32 @!p2 $0xFFFFF000  }
0x35: {  	s0 =	sshrl.u32 @!p1 s2, $0x3;
	s7 =	simm.s32 @!p1 $0x1C06;
	[bflag:$0x0] =	sbarrier.arrive $0xFFFF  }
0x36: {  	[hbm:s12], [sflag:s7] =	dma.local @!p1 [spmem:s0], $0x3E80  }
.Ltmp1:
0x37: {  	_ = 	snop;
	(pc) =	sbr.rel @!p3 .LBB2_12-.Ltmp1, $4  }
0x38: {  	s0 =	simm.s32 @!p1 $0x6  }
0x39: {  	_ =	swait.ge @!p1 [sflag:s0], $0x3E80  }
0x3a: {  	[sflag:s0] =	ssyncset.done @!p1 $0x0  }
0x3b: {  	[sflag:s0] =	ssyncadd.s32 @!p1 $0xFFFFC180  }
.LBB2_1:
0x3c: {  	s0 =	rddreg [dreg:$0x5]  }
0x3d: {  	s24 =	simm.s32 $0x18000;
	p3 =	sne.s32 s6, $0x1;
	s7 =	simm.s32 $0x18080  }
0x3e: {  	[tilespmem:s3], [sflag:$0x1] =	stream.linear.gather [hbm4b:s0+s3], $0xC000, $0x38;
	[tilespmem:$0x1CBC0] =	vst v63  }
.Ltmp2:
0x3f: {  	s20 =	sadd.s32 $0x600, s17;
	s21 =	simm.s32 $0x18280;
	(pc) =	sbr.rel @!p3 .LBB2_3-.Ltmp2, $4  }
0x40: {  	[tilespmem:s24], [sflag:$0x5] =	stream.linear.gather [hbm4b:s17+s3], $0x80, $0x38;
	[tilespmem:$0x1CBC0] =	vst v63  }
0x41: {  	s22 =	sadd.s32 $0x600, s8;
	s23 =	sadd.s32 $0x600, s16;
	s15 =	smov.u32 s8  }
0x42: {  	[tilespmem:s7], [sflag:$0x5] =	stream.linear.gather [hbm4b:s16+s3], $0x80, $0x38;
	[tilespmem:$0x1CBC0] =	vst v63  }
0x43: {  	s0 =	sadd.s32 $0xFFFFFFFF, s6;
	s24 =	simm.s32 $0x18100;
	s7 =	simm.s32 $0x0  }
.LBB2_2:
0x44: {  	[tilespmem:s24], [sflag:$0x5] =	stream.linear.gather [hbm4b:s15+s7], $0x80, $0x38;
	[tilespmem:$0x1CBC0] =	vst v63  }
0x45: {  	p4 =	sne.s32 s0, $0x1;
	s0 =	sadd.s32 $0xFFFFFFFF, s0;
	s24 =	smov.u32 s21  }
.Ltmp3:
0x46: {  	s15 =	sadd.s32 $0xFFFFFF00, s21;
	s7 =	simm.s32 $0x0;
	(pc) =	sbr.rel @p4 .LBB2_2-.Ltmp3, $4  }
0x47: {  	[tilespmem:s15], [sflag:$0x5] =	stream.linear.gather [hbm4b:s20+s7], $0x80, $0x38;
	[tilespmem:$0x1CBC0] =	vst v63  }
0x48: {  	s9 =	sadd.s32 $0xFFFFFF80, s21;
	s20 =	sadd.s32 $0x600, s20;
	s15 =	smov.u32 s22  }
0x49: {  	[tilespmem:s9], [sflag:$0x5] =	stream.linear.gather [hbm4b:s23+s7], $0x80, $0x38;
	[tilespmem:$0x1CBC0] =	vst v63  }
0x4a: {  	s21 =	sadd.s32 $0x180, s21;
	s22 =	sadd.s32 $0x600, s22;
	s23 =	sadd.s32 $0x600, s23  }
.LBB2_3:
0x4b: {  	p4 =	sne.s32 s7, $0x7E00  }
.Ltmp4:
0x4c: {  	_ = 	snop;
	(pc) =	sbr.rel @!p4 .LBB2_5-.Ltmp4, $3  }
0x4d: {  	_ =	sdelay $0x1  }
0x4e: {  	[tilespmem:s24], [sflag:$0x5] =	stream.linear.gather [hbm4b:s15+s7], $0x80, $0x38;
	[tilespmem:$0x1CBC0] =	vst v63  }
0x4f: {  	s0 =	sshra.s32 s7, $0x2;
	s20 =	sadd.s32 $0x200, s7  }
.LBB2_4:
0x50: {  	p4 =	sne.s32 s20, $0x7E00;
	[tilespmem:s0+$0x18CF0] =	vst v0  }
0x51: {  	[tilespmem:s0+$0x18C80] =	vst v0  }
0x52: {  	[tilespmem:s0+$0x18C90] =	vst v0  }
.Ltmp5:
0x53: {  	[tilespmem:s0+$0x18CA0] =	vst v0;
	(pc) =	sbr.rel @p4 .LBB2_4-.Ltmp5, $4  }
0x54: {  	[tilespmem:s0+$0x18CB0] =	vst v0  }
0x55: {  	[tilespmem:s0+$0x18CC0] =	vst v0  }
0x56: {  	[tilespmem:s0+$0x18CD0] =	vst v0  }
0x57: {  	[tilespmem:s0+$0x18CE0] =	vst v0;
	s0 =	sshra.s32 s20, $0x2;
	s20 =	sadd.s32 $0x200, s20  }
.LBB2_5:
0x58: {  	[tilespmem:s0+$0x18CF0] =	vst v0  }
0x59: {  	[tilespmem:s0+$0x18C80] =	vst v0  }
0x5a: {  	[tilespmem:s0+$0x18C90] =	vst v0  }
0x5b: {  	[tilespmem:s0+$0x18CA0] =	vst v0  }
0x5c: {  	[tilespmem:s0+$0x18CB0] =	vst v0  }
0x5d: {  	[tilespmem:s0+$0x18CC0] =	vst v0  }
0x5e: {  	[tilespmem:s0+$0x18CD0] =	vst v0  }
0x5f: {  	[tilespmem:s0+$0x18CE0] =	vst v0;
	s0 =	simm.s32 @p0 $0x18C80;
	s7 =	rddreg [dreg:$0x7]  }
0x60: {  	[spmem:s7] =	stream.linear.scatter @p0 [tilespmem:s0], [sflag:$0x6], $0x1400, $0x38;
	[tilespmem:$0x1CBC0] =	vst v63  }
0x61: {  	s0 =	simm.s32 @p0 $0x6  }
0x62: {  	_ =	swait.ge @p0 [sflag:s0], $0x1400  }
0x63: {  	[sflag:s0] =	ssyncset.done @p0 $0x0  }
0x64: {  	s7 =	rddreg [dreg:$0x6];
	[sflag:s0] =	ssyncadd.s32 @p0 $0xFFFFEC00;
	s0 =	simm.s32 @!p0 $0x18C80  }
0x65: {  	[spmem:s7] =	stream.linear.scatter @!p0 [tilespmem:s0], [sflag:$0x6], $0x2000, $0x38;
	[tilespmem:$0x1CBC0] =	vst v63  }
0x66: {  	s0 =	simm.s32 @!p0 $0x6  }
0x67: {  	_ =	swait.ge @!p0 [sflag:s0], $0x2000  }
0x68: {  	[sflag:s0] =	ssyncset.done @!p0 $0x0  }
0x69: {  	[sflag:s0] =	ssyncadd.s32 @!p0 $0xFFFFE000  }
0x6a: {  	_ =	swait.ge [sflag:s5], $0x80  }
0x6b: {  	[sflag:s5] =	ssyncset.done $0x0  }
0x6c: {  	[sflag:s5] =	ssyncadd.s32 $0xFFFFFF80  }
.Ltmp6:
0x6d: {  	_ =	swait.ge [sflag:s5], $0x80;
	(pc) =	sbr.rel @!p3 .LBB2_7-.Ltmp6, $4  }
0x6e: {  	[sflag:s5] =	ssyncset.done $0x0  }
0x6f: {  	[sflag:s5] =	ssyncadd.s32 $0xFFFFFF80  }
0x70: {  	_ =	swait.ge [sflag:s5], $0x80  }
0x71: {  	s0 =	sadd.s32 $0xFFFFFFFF, s6;
	[sflag:s5] =	ssyncset.done $0x0  }
.LBB2_6:
0x72: {  	p3 =	sne.s32 s0, $0x1;
	s0 =	sadd.s32 $0xFFFFFFFF, s0;
	[sflag:s5] =	ssyncadd.s32 $0xFFFFFF80  }
0x73: {  	_ =	swait.ge [sflag:s5], $0x80  }
0x74: {  	[sflag:s5] =	ssyncset.done $0x0  }
0x75: {  	[sflag:s5] =	ssyncadd.s32 $0xFFFFFF80  }
.Ltmp7:
0x76: {  	_ =	swait.ge [sflag:s5], $0x80;
	(pc) =	sbr.rel @p3 .LBB2_6-.Ltmp7, $4  }
0x77: {  	[sflag:s5] =	ssyncset.done $0x0  }
0x78: {  	[sflag:s5] =	ssyncadd.s32 $0xFFFFFF80  }
0x79: {  	_ =	swait.ge [sflag:s5], $0x80  }
0x7a: {  	[sflag:s5] =	ssyncset.done $0x0  }
.LBB2_7:
0x7b: {  	[sflag:s5] =	ssyncadd.s32 $0xFFFFFF80  }
0x7c: {  	s0 =	simm.s32 $0x1;
	[bflag:$0x0] =	sbarrier.arrive $0xFFFF  }
0x7d: {  	_ =	swait.ge [sflag:s0], $0xC000  }
0x7e: {  	[sflag:s0] =	ssyncset.done $0x0  }
0x7f: {  	[sflag:s0] =	ssyncadd.s32 $0xFFFF4000  }
0x80: {  	[tilespmem:s18], [sflag:$0x2] =	stream.linear.gather [hbm4b:s14+s3], $0xC000, $0x38;
	[tilespmem:$0x1CBC0] =	vst v63  }
0x81: {  	s7 =	simm.s32 $0x18000  }
0x82: {  	[spmem:s2] =	stream.indirect.scatter.add.f32 [tilespmem:s3], [sflag:$0x3], $0x80, s7, s19, $0xb8;
	[tilespmem:$0x1CBC0] =	vst v63  }
.Ltmp8:
0x83: {  	_ = 	snop;
	(pc) =	sbr.rel .LBB2_8-.Ltmp8, $4  }
0x84: {  	s22 =	simm.s32 $0x18080;
	s9 =	simm.s32 $0x4000  }
0x85: {  	[spmem:s2] =	stream.indirect.scatter.add.f32 [tilespmem:s9], [sflag:$0x3], $0x80, s22, s19, $0xb8;
	[tilespmem:$0x1CBC0] =	vst v63  }
0x86: {  	s23 =	simm.s32 $0x18100;
	s24 =	simm.s32 $0x8000  }
0x87: {  	[spmem:s2] =	stream.indirect.scatter.add.f32 [tilespmem:s24], [sflag:$0x3], $0x80, s23, s19, $0xb8;
	[tilespmem:$0x1CBC0] =	vst v63  }
.LBB2_10:
0x88: {  	p3 =	sne.s32 s20, s6  }
.Ltmp9:
0x89: {  	_ = 	snop;
	(pc) =	sbr.rel @!p3 .LBB2_11-.Ltmp9, $2  }
0x8a: {  	_ =	sdelay $0x2  }
0x8b: {  	s0 =	smov.u32 s20  }
.LBB2_8:
0x8c: {  	s7 =	sand.u32 $0x1, s0  }
0x8d: {  	p3 =	seq.s32 s7, $0x1  }
0x8e: {  	s9 =	simm.s32 @!p3 $0x1;
	s20 =	sor.u32 @!p3 $0x1, s0  }
0x8f: {  	_ =	swait.ge @!p3 [sflag:s9], $0xC000;
	p4 =	sge.u32 @!p3 s20, s6  }
0x90: {  	[sflag:s9] =	ssyncset.done @!p3 $0x0;
	p4 =	por p4, p3  }
0x91: {  	[sflag:s9] =	ssyncadd.s32 @!p3 $0xFFFF4000;
	s9 =	simm.s32 @!p4 $0x4  }
0x92: {  	_ =	swait.ge @!p4 [sflag:s9], $0x4000  }
0x93: {  	[sflag:s9] =	ssyncset.done @!p4 $0x0  }
0x94: {  	s15 =	sshll.u32 @!p4 s20, $0x5;
	[sflag:s9] =	ssyncadd.s32 @!p4 $0xFFFFC000  }
0x95: {  	s15 =	sor.u32 @!p4 s4, s15;
	_ =	swait.ge @!p4 [sflag:s9], $0x4000  }
0x96: {  	s15 =	smul.u32 @!p4 $0xC000, s15;
	[sflag:s9] =	ssyncset.done @!p4 $0x0  }
0x97: {  	[sflag:s9] =	ssyncadd.s32 @!p4 $0xFFFFC000  }
0x98: {  	s22 =	smul.u32 @!p3 $0x600, s0;
	s15 =	sshrl.u32 @!p4 s15, $0x3;
	_ =	swait.ge @!p4 [sflag:s9], $0x4000  }
0x99: {  	s21 =	simm.s32 @!p4 $0xC000;
	s15 =	sadd.s32 @!p4 s1, s15;
	[sflag:s9] =	ssyncset.done @!p4 $0x0  }
0x9a: {  	[sflag:s9] =	ssyncadd.s32 @!p4 $0xFFFFC000;
	s9 =	sadd.s32 @!p4 $0x68000, s15;
	s15 =	simm.s32 @!p4 $0x0  }
0x9b: {  	[tilespmem:s21], [sflag:$0x2] =	stream.linear.gather @!p4 [hbm4b:s9+s15], $0xC000, $0x38;
	[tilespmem:$0x1CBC0] =	vst v63  }
0x9c: {  	s9 =	sshra.s32 @!p3 s22, $0x2  }
0x9d: {  	s21 =	simm.s32 @!p3 $0x80;
	s22 =	simm.s32 @!p3 $0x0;
	s15 =	sadd.s32 @!p3 $0x18000, s9  }
0x9e: {  	[spmem:s2] =	stream.indirect.scatter.add.f32 @!p3 [tilespmem:s22], [sflag:$0x3], $0x80, s15, s21, $0xb8;
	[tilespmem:$0x1CBC0] =	vst v63  }
0x9f: {  	s15 =	sadd.s32 @!p3 $0x18080, s9;
	s22 =	simm.s32 @!p3 $0x4000  }
0xa0: {  	[spmem:s2] =	stream.indirect.scatter.add.f32 @!p3 [tilespmem:s22], [sflag:$0x3], $0x80, s15, s21, $0xb8;
	[tilespmem:$0x1CBC0] =	vst v63  }
0xa1: {  	p4 =	seq.s32 @!p3 s7, $0x0;
	s9 =	sadd.s32 @!p3 $0x18100, s9;
	s15 =	simm.s32 @!p3 $0x8000  }
0xa2: {  	[spmem:s2] =	stream.indirect.scatter.add.f32 @!p3 [tilespmem:s15], [sflag:$0x3], $0x80, s9, s21, $0xb8;
	[tilespmem:$0x1CBC0] =	vst v63  }
0xa3: {  	p3 =	por p3, !p4  }
.Ltmp10:
0xa4: {  	_ = 	snop;
	(pc) =	sbr.rel @!p3 .LBB2_10-.Ltmp10, $1  }
0xa5: {  	_ =	sdelay $0x3  }
0xa6: {  	_ =	swait.ge [sflag:s28], $0xC000;
	s20 =	sadd.s32 $0x1, s0  }
0xa7: {  	[sflag:s28] =	ssyncset.done $0x0;
	p3 =	sge.u32 s20, s6  }
0xa8: {  	[sflag:s28] =	ssyncadd.s32 $0xFFFF4000;
	s7 =	simm.s32 @!p3 $0x3  }
0xa9: {  	_ =	swait.ge @!p3 [sflag:s7], $0x4000  }
0xaa: {  	[sflag:s7] =	ssyncset.done @!p3 $0x0  }
0xab: {  	[sflag:s7] =	ssyncadd.s32 @!p3 $0xFFFFC000  }
0xac: {  	s9 =	sshll.u32 @!p3 s20, $0x5;
	_ =	swait.ge @!p3 [sflag:s7], $0x4000  }
0xad: {  	s9 =	sor.u32 @!p3 s4, s9;
	[sflag:s7] =	ssyncset.done @!p3 $0x0  }
0xae: {  	s9 =	smul.u32 @!p3 $0xC000, s9;
	[sflag:s7] =	ssyncadd.s32 @!p3 $0xFFFFC000  }
0xaf: {  	_ =	swait.ge @!p3 [sflag:s7], $0x4000  }
0xb0: {  	s22 =	smul.u32 $0x600, s0;
	s9 =	sshrl.u32 @!p3 s9, $0x3;
	[sflag:s7] =	ssyncset.done @!p3 $0x0  }
0xb1: {  	[sflag:s7] =	ssyncadd.s32 @!p3 $0xFFFFC000;
	s7 =	sadd.s32 @!p3 s1, s9  }
0xb2: {  	s0 =	sshra.s32 s22, $0x2;
	s9 =	simm.s32 @!p3 $0x0;
	s7 =	sadd.s32 @!p3 $0x68000, s7  }
0xb3: {  	[tilespmem:s9], [sflag:$0x1] =	stream.linear.gather @!p3 [hbm4b:s7+s9], $0xC000, $0x38;
	[tilespmem:$0x1CBC0] =	vst v63  }
0xb4: {  	s23 =	sadd.s32 $0x18000, s0  }
0xb5: {  	[spmem:s2] =	stream.indirect.scatter.add.f32 [tilespmem:s18], [sflag:$0x4], $0x80, s23, s19, $0xb8;
	[tilespmem:$0x1CBC0] =	vst v63  }
.Ltmp11:
0xb6: {  	_ = 	snop;
	(pc) =	sbr.rel .LBB2_10-.Ltmp11, $4  }
0xb7: {  	s24 =	sadd.s32 $0x18080, s0  }
0xb8: {  	[spmem:s2] =	stream.indirect.scatter.add.f32 [tilespmem:s29], [sflag:$0x4], $0x80, s24, s19, $0xb8;
	[tilespmem:$0x1CBC0] =	vst v63  }
0xb9: {  	s0 =	sadd.s32 $0x18100, s0  }
0xba: {  	[spmem:s2] =	stream.indirect.scatter.add.f32 [tilespmem:s30], [sflag:$0x4], $0x80, s0, s19, $0xb8;
	[tilespmem:$0x1CBC0] =	vst v63  }
.LBB2_12:
0xbb: {  	_ =	sfence.sel $0x180000  }
0xbc: {  	[bflag:$0x0] =	sbarrier.arrive $0xFFFF  }
0xbd: {  	_ =	strace $0x90000047  }
0xbe: {  	[bflag:$0x2] =	sbarrier.arrive $0xFFFF  }
0xbf: {  	s0 =	rddreg [dreg:$0x4]  }
0xc0: {  	s0 =	sadd.s32 @!p1 $0x100000, s0  }
0xc1: {  	[sflag:s0] =	ssyncadd.tile.s32 @!p1 $0x1;
	_ =	shalt  }
.Lfunc_end2:
_tile_overlayer_lowered:
.L_overlay_start_2:
0xc2: {  	(tag) =	ssettag $0x2  }
0xc3: {  	s0 =	rddreg [dreg:$0x0];
	s2 =	stileid.u32  }
0xc4: {  	s1 =	rddreg [dreg:$0x1];
	p0 =	sne.s32 s2, $0x0  }
0xc5: {  	s3 =	rddreg [dreg:$0x2];
	[bflag:$0x3] =	sbarrier.arrive $0xFFFF;
	s2 =	simm.s32 @!p0 $0x1C06  }
0xc6: {  	[timem:s3], [sflag:s2] =	dma.local @!p0 [hbm:s0], s1  }
0xc7: {  	s0 =	simm.s32 @!p0 $0x6  }
0xc8: {  	_ =	swait.ge @!p0 [sflag:s0], s1  }
0xc9: {  	s1 =	ssub.s32 @!p0 $0x0, s1;
	[sflag:s0] =	ssyncset.done @!p0 $0x0  }
0xca: {  	[sflag:s0] =	ssyncadd.s32 @!p0 s1  }
0xcb: {  	[bflag:$0x3] =	sbarrier.arrive $0xFFFF  }
0xcc: {  	_ =	shalt  }

</sc_bundles>
